<compile_context>
chip_gen: v7x
topology: tpu7x:2x2x1
jax: 0.10.2.dev20260603
libtpu: 0.0.44.dev20260713+nightly
codegen_flags: <defaults>
</compile_context>

<pallas_src>
import jax
import jax.numpy as jnp
import numpy as np
from jax import lax
from jax.experimental import pallas as pl
from jax.experimental.pallas import tpu as pltpu
from jax.experimental.pallas import tpu_sc as plsc

_NOBLE_CORES = np.array([0, 2, 10, 18, 36, 54, 86, 118])


def _valence_count(z: int) -> float:
    if z <= 0:
        return 0.0
    return float(z - _NOBLE_CORES[_NOBLE_CORES < z].max())


_VALENCE_TABLE = np.zeros((128,), dtype=np.float32)
for _z in range(119):
    _VALENCE_TABLE[_z] = _valence_count(_z)

_BLK = 32000
_UNROLL = 5
_L = 16
_NC = 2
_NS = 16
_NW = _NC * _NS



def _wi_body(wt_ref, b_ref, emb_ref, wi_ref, buf_ref, sem):
    ei = lax.dot_general(
        wt_ref[...], emb_ref[...],
        (((1,), (1,)), ((), ())),
        preferred_element_type=jnp.float32,
    )
    x = ei + b_ref[0, 0]
    wi = jnp.maximum(x, 0.0) + jnp.log1p(jnp.exp(-jnp.abs(x)))
    buf_ref[...] = wi.reshape(_BLK)
    i = pl.program_id(0)
    cp = pltpu.make_async_copy(buf_ref, wi_ref.at[pl.ds(i * _BLK, _BLK)], sem)
    cp.start()
    cp.wait()


def _compute_wi(embedding, W, b):
    n, d = embedding.shape
    nb = n // _BLK
    wt = W.reshape(1, d)
    b2 = b.reshape(1, 1)
    wi = pl.pallas_call(
        _wi_body,
        grid=(nb,),
        in_specs=[
            pl.BlockSpec((1, d), lambda i: (0, 0)),
            pl.BlockSpec((1, 1), lambda i: (0, 0)),
            pl.BlockSpec((_BLK, d), lambda i: (i, 0)),
        ],
        out_specs=pl.BlockSpec(memory_space=pl.ANY),
        out_shape=jax.ShapeDtypeStruct((n,), jnp.float32),
        scratch_shapes=[
            pltpu.VMEM((_BLK,), jnp.float32),
            pltpu.SemaphoreType.DMA,
        ],
    )(wt, b2, embedding)
    return wi



def _sc_partials_body(ch, nsys, species_hbm, bi_hbm, wi_hbm, tbl_hbm,
                      nel_hbm, wparts_hbm, nparts_hbm,
                      spec_v, bi_v, wi_v, nel_v, tbl_v, wacc, nacc, sem):
    wid = lax.axis_index("s") * _NC + lax.axis_index("c")
    base = wid * ch
    sl_h = pl.ds(base, ch)
    copies = [
        pltpu.make_async_copy(tbl_hbm, tbl_v, sem),
        pltpu.make_async_copy(species_hbm.at[sl_h], spec_v, sem),
        pltpu.make_async_copy(bi_hbm.at[sl_h], bi_v, sem),
        pltpu.make_async_copy(wi_hbm.at[sl_h], wi_v, sem),
    ]
    for c in copies:
        c.start()

    zeros = jnp.zeros((_L,), jnp.float32)
    for j in range(nsys // _L):
        wacc[pl.ds(j * _L, _L)] = zeros
        nacc[pl.ds(j * _L, _L)] = zeros
    for c in copies:
        c.wait()

    lane_off = lax.iota(jnp.int32, _L) * (ch // _L)

    def body(i, c):
        for j in range(_UNROLL):
            idx = lane_off + i * _UNROLL + j
            sp = plsc.load_gather(spec_v, [idx])
            b16 = plsc.load_gather(bi_v, [idx])
            w16 = plsc.load_gather(wi_v, [idx])
            n16 = plsc.load_gather(tbl_v, [sp])
            plsc.store_scatter(nel_v, [idx], n16)
            plsc.addupdate_scatter(wacc, [b16], w16)
            plsc.addupdate_scatter(nacc, [b16], n16)
        return c

    lax.fori_loop(0, ch // (_L * _UNROLL), body, 0)

    pltpu.sync_copy(nel_v, nel_hbm.at[pl.ds(base, ch)])
    pltpu.sync_copy(wacc, wparts_hbm.at[pl.ds(wid * nsys, nsys)])
    pltpu.sync_copy(nacc, nparts_hbm.at[pl.ds(wid * nsys, nsys)])



def _sc_final_body(ch, nsys, wparts_hbm, nparts_hbm, tc_hbm,
                   wi_hbm, nel_hbm, bi_hbm, q_hbm,
                   wp_v, np_v, tc_v, f_v, wi_v, nel_v, bi_v, q_v, sem, sem2):
    wid = lax.axis_index("s") * _NC + lax.axis_index("c")
    base = wid * ch
    sl_h = pl.ds(base, ch)
    part_copies = [
        pltpu.make_async_copy(wparts_hbm, wp_v, sem),
        pltpu.make_async_copy(nparts_hbm, np_v, sem),
        pltpu.make_async_copy(tc_hbm, tc_v, sem),
    ]
    chunk_copies = [
        pltpu.make_async_copy(wi_hbm.at[sl_h], wi_v, sem2),
        pltpu.make_async_copy(nel_hbm.at[sl_h], nel_v, sem2),
        pltpu.make_async_copy(bi_hbm.at[sl_h], bi_v, sem2),
    ]
    for c in part_copies + chunk_copies:
        c.start()
    for c in part_copies:
        c.wait()

    zeros = jnp.zeros((_L,), jnp.float32)

    def fbody(cidx, c):
        aw, an = zeros, zeros
        for r in range(_NW):
            off = r * nsys + cidx * _L
            aw = aw + wp_v[pl.ds(off, _L)]
            an = an + np_v[pl.ds(off, _L)]
        f_v[pl.ds(cidx * _L, _L)] = (an - tc_v[pl.ds(cidx * _L, _L)]) / aw
        return c

    lax.fori_loop(0, nsys // _L, fbody, 0)
    for c in chunk_copies:
        c.wait()

    def body(i, c):
        for j in range(_UNROLL):
            sl = pl.ds((i * _UNROLL + j) * _L, _L)
            fg = plsc.load_gather(f_v, [bi_v[sl]])
            q_v[sl] = nel_v[sl] - wi_v[sl] * fg
        return c

    lax.fori_loop(0, ch // (_L * _UNROLL), body, 0)
    pltpu.sync_copy(q_v, q_hbm.at[pl.ds(base, ch)])


def kernel(species, embedding, batch_index, natoms, total_charge, W, b):
    n = embedding.shape[0]
    nsys = natoms.shape[0]
    ch = n // _NW
    wi = _compute_wi(embedding, W, b)
    tbl = jnp.asarray(_VALENCE_TABLE)
    mesh = plsc.VectorSubcoreMesh(core_axis_name="c", subcore_axis_name="s")
    sc_params = pltpu.CompilerParams(
        needs_layout_passes=False, skip_device_barrier=True
    )

    def partials_body(*refs):
        _sc_partials_body(ch, nsys, *refs)

    nel, wparts, nparts = pl.kernel(
        partials_body,
        out_type=[
            jax.ShapeDtypeStruct((n,), jnp.float32),
            jax.ShapeDtypeStruct((_NW * nsys,), jnp.float32),
            jax.ShapeDtypeStruct((_NW * nsys,), jnp.float32),
        ],
        mesh=mesh,
        compiler_params=sc_params,
        scratch_types=[
            pltpu.VMEM((ch,), jnp.int32),
            pltpu.VMEM((ch,), jnp.int32),
            pltpu.VMEM((ch,), jnp.float32),
            pltpu.VMEM((ch,), jnp.float32),
            pltpu.VMEM((128,), jnp.float32),
            pltpu.VMEM((nsys,), jnp.float32),
            pltpu.VMEM((nsys,), jnp.float32),
            pltpu.SemaphoreType.DMA,
        ],
    )(species, batch_index, wi, tbl)

    def final_body(*refs):
        _sc_final_body(ch, nsys, *refs)

    q = pl.kernel(
        final_body,
        out_type=jax.ShapeDtypeStruct((n,), jnp.float32),
        mesh=mesh,
        compiler_params=sc_params,
        scratch_types=[
            pltpu.VMEM((_NW * nsys,), jnp.float32),
            pltpu.VMEM((_NW * nsys,), jnp.float32),
            pltpu.VMEM((nsys,), jnp.float32),
            pltpu.VMEM((nsys,), jnp.float32),
            pltpu.VMEM((ch,), jnp.float32),
            pltpu.VMEM((ch,), jnp.float32),
            pltpu.VMEM((ch,), jnp.int32),
            pltpu.VMEM((ch,), jnp.float32),
            pltpu.SemaphoreType.DMA,
            pltpu.SemaphoreType.DMA,
        ],
    )(wparts, nparts, total_charge, wi, nel, batch_index)
    return q

# --- scband reference (transcript-rebuilt; emitter-appended) ---
"""Pipeline reference for scband-distribute-electrons-55198919688300 (READ-ONLY COPY).

The authoritative reference and input builder live on the scoring server;
editing this copy changes nothing except your own understanding.
"""

import jax, jax.numpy as jnp
import numpy as np

# Valence electrons = electrons outside the nearest noble-gas core (FeNNol convention)
_NOBLE = np.array([0, 2, 10, 18, 36, 54, 86, 118])

def _valence(z):
    if z <= 0:
        return 0
    core = _NOBLE[_NOBLE < z].max()
    return z - core

VALENCE_ELECTRONS = np.array([_valence(z) for z in range(119)], dtype=np.float32)

N = 320000
D = 128
NSYS = 512


def setup_inputs(seed: int = 0) -> dict:
    key = jax.random.key(seed)
    k1, k2, k3, k4, k5, k6 = jax.random.split(key, 6)
    species = jax.random.randint(k1, (N,), 1, 100, dtype=jnp.int32)
    embedding = jax.random.normal(k2, (N, D), dtype=jnp.float32)
    batch_index = jnp.sort(jax.random.randint(k3, (N,), 0, NSYS, dtype=jnp.int32))
    natoms = jax.random.randint(k4, (NSYS,), 0, 1000, dtype=jnp.int32)
    total_charge = jax.random.normal(k5, (NSYS,), dtype=jnp.float32)
    # learned params of Dense(1, use_bias=True) named 'wi'
    W = jax.random.normal(k6, (D, 1), dtype=jnp.float32) * 0.05
    b = jnp.zeros((1,), dtype=jnp.float32)
    return {"species": species, "embedding": embedding, "batch_index": batch_index,
            "natoms": natoms, "total_charge": total_charge, "W": W, "b": b}


def reference(species, embedding, batch_index, natoms, total_charge, W, b):
    Nel = jnp.asarray(VALENCE_ELECTRONS)[species]
    ei = (embedding @ W + b).squeeze(-1)
    wi = jax.nn.softplus(ei)
    nsys = natoms.shape[0]
    wtot = jax.ops.segment_sum(wi, batch_index, nsys)
    Qtot = total_charge.astype(ei.dtype)
    Neltot = jax.ops.segment_sum(Nel, batch_index, nsys) - Qtot
    f = Neltot / wtot
    Ni = wi * f[batch_index]
    q = Nel - Ni
    return q

if __name__ == "__main__":
    import jax
    _d = setup_inputs()
    print(jax.jit(kernel)(*tuple(_d.values())))

</pallas_src>

<mosaic_0001>
#map = affine_map<(d0, d1) -> (0)>
module attributes {stable_mosaic.version = 14 : i64} {
  func.func @partials_body(%arg0: i32, %arg1: i32, %arg2: memref<320000xi32, #tpu.memory_space<hbm>>, %arg3: memref<320000xi32, #tpu.memory_space<hbm>>, %arg4: memref<320000xf32, #tpu.memory_space<hbm>>, %arg5: memref<128xf32, #tpu.memory_space<hbm>>, %arg6: memref<320000xf32, #tpu.memory_space<hbm>>, %arg7: memref<16384xf32, #tpu.memory_space<hbm>>, %arg8: memref<16384xf32, #tpu.memory_space<hbm>>, %arg9: memref<10000xi32, #tpu.memory_space<vmem>>, %arg10: memref<10000xi32, #tpu.memory_space<vmem>>, %arg11: memref<10000xf32, #tpu.memory_space<vmem>>, %arg12: memref<10000xf32, #tpu.memory_space<vmem>>, %arg13: memref<128xf32, #tpu.memory_space<vmem>>, %arg14: memref<512xf32, #tpu.memory_space<vmem>>, %arg15: memref<512xf32, #tpu.memory_space<vmem>>, %arg16: memref<!tpu.dma_semaphore, #tpu.memory_space<semaphore_mem>>) attributes {dimension_semantics = [#tpu.dimension_semantics<core_parallel>, #tpu.dimension_semantics<subcore_parallel>], iteration_bounds = array<i64: 2, 16>, scalar_prefetch = 0 : i64, scratch_operands = 8 : i64, tpu.core_type = #tpu.core_type<sc_vector_subcore>, window_params = [{transform_indices = #map}, {transform_indices = #map}, {transform_indices = #map}, {transform_indices = #map}, {transform_indices = #map}, {transform_indices = #map}, {transform_indices = #map}]} {
    %mul3A = arith.constant 2 : i32
    %mul3A_0 = arith.muli %arg1, %mul3A : i32
    %add3A = arith.addi %mul3A_0, %arg0 : i32
    %mul3A_1 = arith.constant 10000 : i32
    %mul3A_2 = arith.muli %add3A, %mul3A_1 : i32
    tpu.enqueue_dma source(%arg5 : memref<128xf32, #tpu.memory_space<hbm>>) target(%arg13 : memref<128xf32, #tpu.memory_space<vmem>>) target_semaphore(%arg16 : memref<!tpu.dma_semaphore, #tpu.memory_space<semaphore_mem>>)
    %dma_start3A = tpu.memref_slice %arg2[%mul3A_2] : memref<320000xi32, #tpu.memory_space<hbm>> -> memref<10000xi32, #tpu.memory_space<hbm>>
    %dma_start3A_3 = tpu.memref_slice %arg2[%mul3A_2] : memref<320000xi32, #tpu.memory_space<hbm>> -> memref<10000xi32, #tpu.memory_space<hbm>>
    tpu.enqueue_dma source(%dma_start3A_3 : memref<10000xi32, #tpu.memory_space<hbm>>) target(%arg9 : memref<10000xi32, #tpu.memory_space<vmem>>) target_semaphore(%arg16 : memref<!tpu.dma_semaphore, #tpu.memory_space<semaphore_mem>>)
    %dma_start3A_4 = tpu.memref_slice %arg3[%mul3A_2] : memref<320000xi32, #tpu.memory_space<hbm>> -> memref<10000xi32, #tpu.memory_space<hbm>>
    %dma_start3A_5 = tpu.memref_slice %arg3[%mul3A_2] : memref<320000xi32, #tpu.memory_space<hbm>> -> memref<10000xi32, #tpu.memory_space<hbm>>
    tpu.enqueue_dma source(%dma_start3A_5 : memref<10000xi32, #tpu.memory_space<hbm>>) target(%arg10 : memref<10000xi32, #tpu.memory_space<vmem>>) target_semaphore(%arg16 : memref<!tpu.dma_semaphore, #tpu.memory_space<semaphore_mem>>)
    %dma_start3A_6 = tpu.memref_slice %arg4[%mul3A_2] : memref<320000xf32, #tpu.memory_space<hbm>> -> memref<10000xf32, #tpu.memory_space<hbm>>
    %dma_start3A_7 = tpu.memref_slice %arg4[%mul3A_2] : memref<320000xf32, #tpu.memory_space<hbm>> -> memref<10000xf32, #tpu.memory_space<hbm>>
    tpu.enqueue_dma source(%dma_start3A_7 : memref<10000xf32, #tpu.memory_space<hbm>>) target(%arg11 : memref<10000xf32, #tpu.memory_space<vmem>>) target_semaphore(%arg16 : memref<!tpu.dma_semaphore, #tpu.memory_space<semaphore_mem>>)
    %broadcast_in_dim3A = arith.constant 0.000000e+00 : f32
    %broadcast_in_dim3A_8 = vector.broadcast %broadcast_in_dim3A : f32 to vector<16xf32>
    %swap3A = arith.constant 0 : index
    %swap3A_9 = tpu.vector_load %arg14[%swap3A] {strides = array<i32>} : memref<512xf32, #tpu.memory_space<vmem>>, vector<16xf32>,
    tpu.vector_store %arg14[%swap3A], %broadcast_in_dim3A_8 {strides = array<i32>} : memref<512xf32, #tpu.memory_space<vmem>>, vector<16xf32>,
    %swap3A_10 = arith.constant 0 : index
    %swap3A_11 = tpu.vector_load %arg15[%swap3A_10] {strides = array<i32>} : memref<512xf32, #tpu.memory_space<vmem>>, vector<16xf32>,
    tpu.vector_store %arg15[%swap3A_10], %broadcast_in_dim3A_8 {strides = array<i32>} : memref<512xf32, #tpu.memory_space<vmem>>, vector<16xf32>,
    %swap3A_12 = arith.constant 16 : index
    %swap3A_13 = tpu.vector_load %arg14[%swap3A_12] {strides = array<i32>} : memref<512xf32, #tpu.memory_space<vmem>>, vector<16xf32>,
    tpu.vector_store %arg14[%swap3A_12], %broadcast_in_dim3A_8 {strides = array<i32>} : memref<512xf32, #tpu.memory_space<vmem>>, vector<16xf32>,
    %swap3A_14 = arith.constant 16 : index
    %swap3A_15 = tpu.vector_load %arg15[%swap3A_14] {strides = array<i32>} : memref<512xf32, #tpu.memory_space<vmem>>, vector<16xf32>,
    tpu.vector_store %arg15[%swap3A_14], %broadcast_in_dim3A_8 {strides = array<i32>} : memref<512xf32, #tpu.memory_space<vmem>>, vector<16xf32>,
    %swap3A_16 = arith.constant 32 : index
    %swap3A_17 = tpu.vector_load %arg14[%swap3A_16] {strides = array<i32>} : memref<512xf32, #tpu.memory_space<vmem>>, vector<16xf32>,
    tpu.vector_store %arg14[%swap3A_16], %broadcast_in_dim3A_8 {strides = array<i32>} : memref<512xf32, #tpu.memory_space<vmem>>, vector<16xf32>,
    %swap3A_18 = arith.constant 32 : index
    %swap3A_19 = tpu.vector_load %arg15[%swap3A_18] {strides = array<i32>} : memref<512xf32, #tpu.memory_space<vmem>>, vector<16xf32>,
    tpu.vector_store %arg15[%swap3A_18], %broadcast_in_dim3A_8 {strides = array<i32>} : memref<512xf32, #tpu.memory_space<vmem>>, vector<16xf32>,
    %swap3A_20 = arith.constant 48 : index
    %swap3A_21 = tpu.vector_load %arg14[%swap3A_20] {strides = array<i32>} : memref<512xf32, #tpu.memory_space<vmem>>, vector<16xf32>,
    tpu.vector_store %arg14[%swap3A_20], %broadcast_in_dim3A_8 {strides = array<i32>} : memref<512xf32, #tpu.memory_space<vmem>>, vector<16xf32>,
    %swap3A_22 = arith.constant 48 : index
    %swap3A_23 = tpu.vector_load %arg15[%swap3A_22] {strides = array<i32>} : memref<512xf32, #tpu.memory_space<vmem>>, vector<16xf32>,
    tpu.vector_store %arg15[%swap3A_22], %broadcast_in_dim3A_8 {strides = array<i32>} : memref<512xf32, #tpu.memory_space<vmem>>, vector<16xf32>,
    %swap3A_24 = arith.constant 64 : index
    %swap3A_25 = tpu.vector_load %arg14[%swap3A_24] {strides = array<i32>} : memref<512xf32, #tpu.memory_space<vmem>>, vector<16xf32>,
    tpu.vector_store %arg14[%swap3A_24], %broadcast_in_dim3A_8 {strides = array<i32>} : memref<512xf32, #tpu.memory_space<vmem>>, vector<16xf32>,
    %swap3A_26 = arith.constant 64 : index
    %swap3A_27 = tpu.vector_load %arg15[%swap3A_26] {strides = array<i32>} : memref<512xf32, #tpu.memory_space<vmem>>, vector<16xf32>,
    tpu.vector_store %arg15[%swap3A_26], %broadcast_in_dim3A_8 {strides = array<i32>} : memref<512xf32, #tpu.memory_space<vmem>>, vector<16xf32>,
    %swap3A_28 = arith.constant 80 : index
    %swap3A_29 = tpu.vector_load %arg14[%swap3A_28] {strides = array<i32>} : memref<512xf32, #tpu.memory_space<vmem>>, vector<16xf32>,
    tpu.vector_store %arg14[%swap3A_28], %broadcast_in_dim3A_8 {strides = array<i32>} : memref<512xf32, #tpu.memory_space<vmem>>, vector<16xf32>,
    %swap3A_30 = arith.constant 80 : index
    %swap3A_31 = tpu.vector_load %arg15[%swap3A_30] {strides = array<i32>} : memref<512xf32, #tpu.memory_space<vmem>>, vector<16xf32>,
    tpu.vector_store %arg15[%swap3A_30], %broadcast_in_dim3A_8 {strides = array<i32>} : memref<512xf32, #tpu.memory_space<vmem>>, vector<16xf32>,
    %swap3A_32 = arith.constant 96 : index
    %swap3A_33 = tpu.vector_load %arg14[%swap3A_32] {strides = array<i32>} : memref<512xf32, #tpu.memory_space<vmem>>, vector<16xf32>,
    tpu.vector_store %arg14[%swap3A_32], %broadcast_in_dim3A_8 {strides = array<i32>} : memref<512xf32, #tpu.memory_space<vmem>>, vector<16xf32>,
    %swap3A_34 = arith.constant 96 : index
    %swap3A_35 = tpu.vector_load %arg15[%swap3A_34] {strides = array<i32>} : memref<512xf32, #tpu.memory_space<vmem>>, vector<16xf32>,
    tpu.vector_store %arg15[%swap3A_34], %broadcast_in_dim3A_8 {strides = array<i32>} : memref<512xf32, #tpu.memory_space<vmem>>, vector<16xf32>,
    %swap3A_36 = arith.constant 112 : index
    %swap3A_37 = tpu.vector_load %arg14[%swap3A_36] {strides = array<i32>} : memref<512xf32, #tpu.memory_space<vmem>>, vector<16xf32>,
    tpu.vector_store %arg14[%swap3A_36], %broadcast_in_dim3A_8 {strides = array<i32>} : memref<512xf32, #tpu.memory_space<vmem>>, vector<16xf32>,
    %swap3A_38 = arith.constant 112 : index
    %swap3A_39 = tpu.vector_load %arg15[%swap3A_38] {strides = array<i32>} : memref<512xf32, #tpu.memory_space<vmem>>, vector<16xf32>,
    tpu.vector_store %arg15[%swap3A_38], %broadcast_in_dim3A_8 {strides = array<i32>} : memref<512xf32, #tpu.memory_space<vmem>>, vector<16xf32>,
    %swap3A_40 = arith.constant 128 : index
    %swap3A_41 = tpu.vector_load %arg14[%swap3A_40] {strides = array<i32>} : memref<512xf32, #tpu.memory_space<vmem>>, vector<16xf32>,
    tpu.vector_store %arg14[%swap3A_40], %broadcast_in_dim3A_8 {strides = array<i32>} : memref<512xf32, #tpu.memory_space<vmem>>, vector<16xf32>,
    %swap3A_42 = arith.constant 128 : index
    %swap3A_43 = tpu.vector_load %arg15[%swap3A_42] {strides = array<i32>} : memref<512xf32, #tpu.memory_space<vmem>>, vector<16xf32>,
    tpu.vector_store %arg15[%swap3A_42], %broadcast_in_dim3A_8 {strides = array<i32>} : memref<512xf32, #tpu.memory_space<vmem>>, vector<16xf32>,
    %swap3A_44 = arith.constant 144 : index
    %swap3A_45 = tpu.vector_load %arg14[%swap3A_44] {strides = array<i32>} : memref<512xf32, #tpu.memory_space<vmem>>, vector<16xf32>,
    tpu.vector_store %arg14[%swap3A_44], %broadcast_in_dim3A_8 {strides = array<i32>} : memref<512xf32, #tpu.memory_space<vmem>>, vector<16xf32>,
    %swap3A_46 = arith.constant 144 : index
    %swap3A_47 = tpu.vector_load %arg15[%swap3A_46] {strides = array<i32>} : memref<512xf32, #tpu.memory_space<vmem>>, vector<16xf32>,
    tpu.vector_store %arg15[%swap3A_46], %broadcast_in_dim3A_8 {strides = array<i32>} : memref<512xf32, #tpu.memory_space<vmem>>, vector<16xf32>,
    %swap3A_48 = arith.constant 160 : index
    %swap3A_49 = tpu.vector_load %arg14[%swap3A_48] {strides = array<i32>} : memref<512xf32, #tpu.memory_space<vmem>>, vector<16xf32>,
    tpu.vector_store %arg14[%swap3A_48], %broadcast_in_dim3A_8 {strides = array<i32>} : memref<512xf32, #tpu.memory_space<vmem>>, vector<16xf32>,
    %swap3A_50 = arith.constant 160 : index
    %swap3A_51 = tpu.vector_load %arg15[%swap3A_50] {strides = array<i32>} : memref<512xf32, #tpu.memory_space<vmem>>, vector<16xf32>,
    tpu.vector_store %arg15[%swap3A_50], %broadcast_in_dim3A_8 {strides = array<i32>} : memref<512xf32, #tpu.memory_space<vmem>>, vector<16xf32>,
    %swap3A_52 = arith.constant 176 : index
    %swap3A_53 = tpu.vector_load %arg14[%swap3A_52] {strides = array<i32>} : memref<512xf32, #tpu.memory_space<vmem>>, vector<16xf32>,
    tpu.vector_store %arg14[%swap3A_52], %broadcast_in_dim3A_8 {strides = array<i32>} : memref<512xf32, #tpu.memory_space<vmem>>, vector<16xf32>,
    %swap3A_54 = arith.constant 176 : index
    %swap3A_55 = tpu.vector_load %arg15[%swap3A_54] {strides = array<i32>} : memref<512xf32, #tpu.memory_space<vmem>>, vector<16xf32>,
    tpu.vector_store %arg15[%swap3A_54], %broadcast_in_dim3A_8 {strides = array<i32>} : memref<512xf32, #tpu.memory_space<vmem>>, vector<16xf32>,
    %swap3A_56 = arith.constant 192 : index
    %swap3A_57 = tpu.vector_load %arg14[%swap3A_56] {strides = array<i32>} : memref<512xf32, #tpu.memory_space<vmem>>, vector<16xf32>,
    tpu.vector_store %arg14[%swap3A_56], %broadcast_in_dim3A_8 {strides = array<i32>} : memref<512xf32, #tpu.memory_space<vmem>>, vector<16xf32>,
    %swap3A_58 = arith.constant 192 : index
    %swap3A_59 = tpu.vector_load %arg15[%swap3A_58] {strides = array<i32>} : memref<512xf32, #tpu.memory_space<vmem>>, vector<16xf32>,
    tpu.vector_store %arg15[%swap3A_58], %broadcast_in_dim3A_8 {strides = array<i32>} : memref<512xf32, #tpu.memory_space<vmem>>, vector<16xf32>,
    %swap3A_60 = arith.constant 208 : index
    %swap3A_61 = tpu.vector_load %arg14[%swap3A_60] {strides = array<i32>} : memref<512xf32, #tpu.memory_space<vmem>>, vector<16xf32>,
    tpu.vector_store %arg14[%swap3A_60], %broadcast_in_dim3A_8 {strides = array<i32>} : memref<512xf32, #tpu.memory_space<vmem>>, vector<16xf32>,
    %swap3A_62 = arith.constant 208 : index
    %swap3A_63 = tpu.vector_load %arg15[%swap3A_62] {strides = array<i32>} : memref<512xf32, #tpu.memory_space<vmem>>, vector<16xf32>,
    tpu.vector_store %arg15[%swap3A_62], %broadcast_in_dim3A_8 {strides = array<i32>} : memref<512xf32, #tpu.memory_space<vmem>>, vector<16xf32>,
    %swap3A_64 = arith.constant 224 : index
    %swap3A_65 = tpu.vector_load %arg14[%swap3A_64] {strides = array<i32>} : memref<512xf32, #tpu.memory_space<vmem>>, vector<16xf32>,
    tpu.vector_store %arg14[%swap3A_64], %broadcast_in_dim3A_8 {strides = array<i32>} : memref<512xf32, #tpu.memory_space<vmem>>, vector<16xf32>,
    %swap3A_66 = arith.constant 224 : index
    %swap3A_67 = tpu.vector_load %arg15[%swap3A_66] {strides = array<i32>} : memref<512xf32, #tpu.memory_space<vmem>>, vector<16xf32>,
    tpu.vector_store %arg15[%swap3A_66], %broadcast_in_dim3A_8 {strides = array<i32>} : memref<512xf32, #tpu.memory_space<vmem>>, vector<16xf32>,
    %swap3A_68 = arith.constant 240 : index
    %swap3A_69 = tpu.vector_load %arg14[%swap3A_68] {strides = array<i32>} : memref<512xf32, #tpu.memory_space<vmem>>, vector<16xf32>,
    tpu.vector_store %arg14[%swap3A_68], %broadcast_in_dim3A_8 {strides = array<i32>} : memref<512xf32, #tpu.memory_space<vmem>>, vector<16xf32>,
    %swap3A_70 = arith.constant 240 : index
    %swap3A_71 = tpu.vector_load %arg15[%swap3A_70] {strides = array<i32>} : memref<512xf32, #tpu.memory_space<vmem>>, vector<16xf32>,
    tpu.vector_store %arg15[%swap3A_70], %broadcast_in_dim3A_8 {strides = array<i32>} : memref<512xf32, #tpu.memory_space<vmem>>, vector<16xf32>,
    %swap3A_72 = arith.constant 256 : index
    %swap3A_73 = tpu.vector_load %arg14[%swap3A_72] {strides = array<i32>} : memref<512xf32, #tpu.memory_space<vmem>>, vector<16xf32>,
    tpu.vector_store %arg14[%swap3A_72], %broadcast_in_dim3A_8 {strides = array<i32>} : memref<512xf32, #tpu.memory_space<vmem>>, vector<16xf32>,
    %swap3A_74 = arith.constant 256 : index
    %swap3A_75 = tpu.vector_load %arg15[%swap3A_74] {strides = array<i32>} : memref<512xf32, #tpu.memory_space<vmem>>, vector<16xf32>,
    tpu.vector_store %arg15[%swap3A_74], %broadcast_in_dim3A_8 {strides = array<i32>} : memref<512xf32, #tpu.memory_space<vmem>>, vector<16xf32>,
    %swap3A_76 = arith.constant 272 : index
    %swap3A_77 = tpu.vector_load %arg14[%swap3A_76] {strides = array<i32>} : memref<512xf32, #tpu.memory_space<vmem>>, vector<16xf32>,
    tpu.vector_store %arg14[%swap3A_76], %broadcast_in_dim3A_8 {strides = array<i32>} : memref<512xf32, #tpu.memory_space<vmem>>, vector<16xf32>,
    %swap3A_78 = arith.constant 272 : index
    %swap3A_79 = tpu.vector_load %arg15[%swap3A_78] {strides = array<i32>} : memref<512xf32, #tpu.memory_space<vmem>>, vector<16xf32>,
    tpu.vector_store %arg15[%swap3A_78], %broadcast_in_dim3A_8 {strides = array<i32>} : memref<512xf32, #tpu.memory_space<vmem>>, vector<16xf32>,
    %swap3A_80 = arith.constant 288 : index
    %swap3A_81 = tpu.vector_load %arg14[%swap3A_80] {strides = array<i32>} : memref<512xf32, #tpu.memory_space<vmem>>, vector<16xf32>,
    tpu.vector_store %arg14[%swap3A_80], %broadcast_in_dim3A_8 {strides = array<i32>} : memref<512xf32, #tpu.memory_space<vmem>>, vector<16xf32>,
    %swap3A_82 = arith.constant 288 : index
    %swap3A_83 = tpu.vector_load %arg15[%swap3A_82] {strides = array<i32>} : memref<512xf32, #tpu.memory_space<vmem>>, vector<16xf32>,
    tpu.vector_store %arg15[%swap3A_82], %broadcast_in_dim3A_8 {strides = array<i32>} : memref<512xf32, #tpu.memory_space<vmem>>, vector<16xf32>,
    %swap3A_84 = arith.constant 304 : index
    %swap3A_85 = tpu.vector_load %arg14[%swap3A_84] {strides = array<i32>} : memref<512xf32, #tpu.memory_space<vmem>>, vector<16xf32>,
    tpu.vector_store %arg14[%swap3A_84], %broadcast_in_dim3A_8 {strides = array<i32>} : memref<512xf32, #tpu.memory_space<vmem>>, vector<16xf32>,
    %swap3A_86 = arith.constant 304 : index
    %swap3A_87 = tpu.vector_load %arg15[%swap3A_86] {strides = array<i32>} : memref<512xf32, #tpu.memory_space<vmem>>, vector<16xf32>,
    tpu.vector_store %arg15[%swap3A_86], %broadcast_in_dim3A_8 {strides = array<i32>} : memref<512xf32, #tpu.memory_space<vmem>>, vector<16xf32>,
    %swap3A_88 = arith.constant 320 : index
    %swap3A_89 = tpu.vector_load %arg14[%swap3A_88] {strides = array<i32>} : memref<512xf32, #tpu.memory_space<vmem>>, vector<16xf32>,
    tpu.vector_store %arg14[%swap3A_88], %broadcast_in_dim3A_8 {strides = array<i32>} : memref<512xf32, #tpu.memory_space<vmem>>, vector<16xf32>,
    %swap3A_90 = arith.constant 320 : index
    %swap3A_91 = tpu.vector_load %arg15[%swap3A_90] {strides = array<i32>} : memref<512xf32, #tpu.memory_space<vmem>>, vector<16xf32>,
    tpu.vector_store %arg15[%swap3A_90], %broadcast_in_dim3A_8 {strides = array<i32>} : memref<512xf32, #tpu.memory_space<vmem>>, vector<16xf32>,
    %swap3A_92 = arith.constant 336 : index
    %swap3A_93 = tpu.vector_load %arg14[%swap3A_92] {strides = array<i32>} : memref<512xf32, #tpu.memory_space<vmem>>, vector<16xf32>,
    tpu.vector_store %arg14[%swap3A_92], %broadcast_in_dim3A_8 {strides = array<i32>} : memref<512xf32, #tpu.memory_space<vmem>>, vector<16xf32>,
    %swap3A_94 = arith.constant 336 : index
    %swap3A_95 = tpu.vector_load %arg15[%swap3A_94] {strides = array<i32>} : memref<512xf32, #tpu.memory_space<vmem>>, vector<16xf32>,
    tpu.vector_store %arg15[%swap3A_94], %broadcast_in_dim3A_8 {strides = array<i32>} : memref<512xf32, #tpu.memory_space<vmem>>, vector<16xf32>,
    %swap3A_96 = arith.constant 352 : index
    %swap3A_97 = tpu.vector_load %arg14[%swap3A_96] {strides = array<i32>} : memref<512xf32, #tpu.memory_space<vmem>>, vector<16xf32>,
    tpu.vector_store %arg14[%swap3A_96], %broadcast_in_dim3A_8 {strides = array<i32>} : memref<512xf32, #tpu.memory_space<vmem>>, vector<16xf32>,
    %swap3A_98 = arith.constant 352 : index
    %swap3A_99 = tpu.vector_load %arg15[%swap3A_98] {strides = array<i32>} : memref<512xf32, #tpu.memory_space<vmem>>, vector<16xf32>,
    tpu.vector_store %arg15[%swap3A_98], %broadcast_in_dim3A_8 {strides = array<i32>} : memref<512xf32, #tpu.memory_space<vmem>>, vector<16xf32>,
    %swap3A_100 = arith.constant 368 : index
    %swap3A_101 = tpu.vector_load %arg14[%swap3A_100] {strides = array<i32>} : memref<512xf32, #tpu.memory_space<vmem>>, vector<16xf32>,
    tpu.vector_store %arg14[%swap3A_100], %broadcast_in_dim3A_8 {strides = array<i32>} : memref<512xf32, #tpu.memory_space<vmem>>, vector<16xf32>,
    %swap3A_102 = arith.constant 368 : index
    %swap3A_103 = tpu.vector_load %arg15[%swap3A_102] {strides = array<i32>} : memref<512xf32, #tpu.memory_space<vmem>>, vector<16xf32>,
    tpu.vector_store %arg15[%swap3A_102], %broadcast_in_dim3A_8 {strides = array<i32>} : memref<512xf32, #tpu.memory_space<vmem>>, vector<16xf32>,
    %swap3A_104 = arith.constant 384 : index
    %swap3A_105 = tpu.vector_load %arg14[%swap3A_104] {strides = array<i32>} : memref<512xf32, #tpu.memory_space<vmem>>, vector<16xf32>,
    tpu.vector_store %arg14[%swap3A_104], %broadcast_in_dim3A_8 {strides = array<i32>} : memref<512xf32, #tpu.memory_space<vmem>>, vector<16xf32>,
    %swap3A_106 = arith.constant 384 : index
    %swap3A_107 = tpu.vector_load %arg15[%swap3A_106] {strides = array<i32>} : memref<512xf32, #tpu.memory_space<vmem>>, vector<16xf32>,
    tpu.vector_store %arg15[%swap3A_106], %broadcast_in_dim3A_8 {strides = array<i32>} : memref<512xf32, #tpu.memory_space<vmem>>, vector<16xf32>,
    %swap3A_108 = arith.constant 400 : index
    %swap3A_109 = tpu.vector_load %arg14[%swap3A_108] {strides = array<i32>} : memref<512xf32, #tpu.memory_space<vmem>>, vector<16xf32>,
    tpu.vector_store %arg14[%swap3A_108], %broadcast_in_dim3A_8 {strides = array<i32>} : memref<512xf32, #tpu.memory_space<vmem>>, vector<16xf32>,
    %swap3A_110 = arith.constant 400 : index
    %swap3A_111 = tpu.vector_load %arg15[%swap3A_110] {strides = array<i32>} : memref<512xf32, #tpu.memory_space<vmem>>, vector<16xf32>,
    tpu.vector_store %arg15[%swap3A_110], %broadcast_in_dim3A_8 {strides = array<i32>} : memref<512xf32, #tpu.memory_space<vmem>>, vector<16xf32>,
    %swap3A_112 = arith.constant 416 : index
    %swap3A_113 = tpu.vector_load %arg14[%swap3A_112] {strides = array<i32>} : memref<512xf32, #tpu.memory_space<vmem>>, vector<16xf32>,
    tpu.vector_store %arg14[%swap3A_112], %broadcast_in_dim3A_8 {strides = array<i32>} : memref<512xf32, #tpu.memory_space<vmem>>, vector<16xf32>,
    %swap3A_114 = arith.constant 416 : index
    %swap3A_115 = tpu.vector_load %arg15[%swap3A_114] {strides = array<i32>} : memref<512xf32, #tpu.memory_space<vmem>>, vector<16xf32>,
    tpu.vector_store %arg15[%swap3A_114], %broadcast_in_dim3A_8 {strides = array<i32>} : memref<512xf32, #tpu.memory_space<vmem>>, vector<16xf32>,
    %swap3A_116 = arith.constant 432 : index
    %swap3A_117 = tpu.vector_load %arg14[%swap3A_116] {strides = array<i32>} : memref<512xf32, #tpu.memory_space<vmem>>, vector<16xf32>,
    tpu.vector_store %arg14[%swap3A_116], %broadcast_in_dim3A_8 {strides = array<i32>} : memref<512xf32, #tpu.memory_space<vmem>>, vector<16xf32>,
    %swap3A_118 = arith.constant 432 : index
    %swap3A_119 = tpu.vector_load %arg15[%swap3A_118] {strides = array<i32>} : memref<512xf32, #tpu.memory_space<vmem>>, vector<16xf32>,
    tpu.vector_store %arg15[%swap3A_118], %broadcast_in_dim3A_8 {strides = array<i32>} : memref<512xf32, #tpu.memory_space<vmem>>, vector<16xf32>,
    %swap3A_120 = arith.constant 448 : index
    %swap3A_121 = tpu.vector_load %arg14[%swap3A_120] {strides = array<i32>} : memref<512xf32, #tpu.memory_space<vmem>>, vector<16xf32>,
    tpu.vector_store %arg14[%swap3A_120], %broadcast_in_dim3A_8 {strides = array<i32>} : memref<512xf32, #tpu.memory_space<vmem>>, vector<16xf32>,
    %swap3A_122 = arith.constant 448 : index
    %swap3A_123 = tpu.vector_load %arg15[%swap3A_122] {strides = array<i32>} : memref<512xf32, #tpu.memory_space<vmem>>, vector<16xf32>,
    tpu.vector_store %arg15[%swap3A_122], %broadcast_in_dim3A_8 {strides = array<i32>} : memref<512xf32, #tpu.memory_space<vmem>>, vector<16xf32>,
    %swap3A_124 = arith.constant 464 : index
    %swap3A_125 = tpu.vector_load %arg14[%swap3A_124] {strides = array<i32>} : memref<512xf32, #tpu.memory_space<vmem>>, vector<16xf32>,
    tpu.vector_store %arg14[%swap3A_124], %broadcast_in_dim3A_8 {strides = array<i32>} : memref<512xf32, #tpu.memory_space<vmem>>, vector<16xf32>,
    %swap3A_126 = arith.constant 464 : index
    %swap3A_127 = tpu.vector_load %arg15[%swap3A_126] {strides = array<i32>} : memref<512xf32, #tpu.memory_space<vmem>>, vector<16xf32>,
    tpu.vector_store %arg15[%swap3A_126], %broadcast_in_dim3A_8 {strides = array<i32>} : memref<512xf32, #tpu.memory_space<vmem>>, vector<16xf32>,
    %swap3A_128 = arith.constant 480 : index
    %swap3A_129 = tpu.vector_load %arg14[%swap3A_128] {strides = array<i32>} : memref<512xf32, #tpu.memory_space<vmem>>, vector<16xf32>,
    tpu.vector_store %arg14[%swap3A_128], %broadcast_in_dim3A_8 {strides = array<i32>} : memref<512xf32, #tpu.memory_space<vmem>>, vector<16xf32>,
    %swap3A_130 = arith.constant 480 : index
    %swap3A_131 = tpu.vector_load %arg15[%swap3A_130] {strides = array<i32>} : memref<512xf32, #tpu.memory_space<vmem>>, vector<16xf32>,
    tpu.vector_store %arg15[%swap3A_130], %broadcast_in_dim3A_8 {strides = array<i32>} : memref<512xf32, #tpu.memory_space<vmem>>, vector<16xf32>,
    %swap3A_132 = arith.constant 496 : index
    %swap3A_133 = tpu.vector_load %arg14[%swap3A_132] {strides = array<i32>} : memref<512xf32, #tpu.memory_space<vmem>>, vector<16xf32>,
    tpu.vector_store %arg14[%swap3A_132], %broadcast_in_dim3A_8 {strides = array<i32>} : memref<512xf32, #tpu.memory_space<vmem>>, vector<16xf32>,
    %swap3A_134 = arith.constant 496 : index
    %swap3A_135 = tpu.vector_load %arg15[%swap3A_134] {strides = array<i32>} : memref<512xf32, #tpu.memory_space<vmem>>, vector<16xf32>,
    tpu.vector_store %arg15[%swap3A_134], %broadcast_in_dim3A_8 {strides = array<i32>} : memref<512xf32, #tpu.memory_space<vmem>>, vector<16xf32>,
    tpu.wait_dma2 semaphore(%arg16 : memref<!tpu.dma_semaphore, #tpu.memory_space<semaphore_mem>>) src(%arg5 : memref<128xf32, #tpu.memory_space<hbm>>) dst(%arg13 : memref<128xf32, #tpu.memory_space<vmem>>)
    %dma_wait3A = tpu.memref_slice %arg2[%mul3A_2] : memref<320000xi32, #tpu.memory_space<hbm>> -> memref<10000xi32, #tpu.memory_space<hbm>>
    %dma_wait3A_136 = tpu.memref_slice %arg2[%mul3A_2] : memref<320000xi32, #tpu.memory_space<hbm>> -> memref<10000xi32, #tpu.memory_space<hbm>>
    tpu.wait_dma2 semaphore(%arg16 : memref<!tpu.dma_semaphore, #tpu.memory_space<semaphore_mem>>) src(%dma_wait3A_136 : memref<10000xi32, #tpu.memory_space<hbm>>) dst(%arg9 : memref<10000xi32, #tpu.memory_space<vmem>>)
    %dma_wait3A_137 = tpu.memref_slice %arg3[%mul3A_2] : memref<320000xi32, #tpu.memory_space<hbm>> -> memref<10000xi32, #tpu.memory_space<hbm>>
    %dma_wait3A_138 = tpu.memref_slice %arg3[%mul3A_2] : memref<320000xi32, #tpu.memory_space<hbm>> -> memref<10000xi32, #tpu.memory_space<hbm>>
    tpu.wait_dma2 semaphore(%arg16 : memref<!tpu.dma_semaphore, #tpu.memory_space<semaphore_mem>>) src(%dma_wait3A_138 : memref<10000xi32, #tpu.memory_space<hbm>>) dst(%arg10 : memref<10000xi32, #tpu.memory_space<vmem>>)
    %dma_wait3A_139 = tpu.memref_slice %arg4[%mul3A_2] : memref<320000xf32, #tpu.memory_space<hbm>> -> memref<10000xf32, #tpu.memory_space<hbm>>
    %dma_wait3A_140 = tpu.memref_slice %arg4[%mul3A_2] : memref<320000xf32, #tpu.memory_space<hbm>> -> memref<10000xf32, #tpu.memory_space<hbm>>
    tpu.wait_dma2 semaphore(%arg16 : memref<!tpu.dma_semaphore, #tpu.memory_space<semaphore_mem>>) src(%dma_wait3A_140 : memref<10000xf32, #tpu.memory_space<hbm>>) dst(%arg11 : memref<10000xf32, #tpu.memory_space<vmem>>)
    %iota3A = tpu.iota {dimensions = array<i32: 0>} : vector<16xi32>
    %mul3A_141 = arith.constant 625 : i32
    %mul3A_142 = vector.broadcast %mul3A_141 : i32 to vector<16xi32>
    %mul3A_143 = arith.muli %iota3A, %mul3A_142 : vector<16xi32>
    %scan3A = arith.constant 0 : i32
    %scan3A_144 = arith.constant 0 : i32
    %scan3A_145 = arith.constant 125 : i32
    %scan3A_146 = arith.addi %scan3A_144, %scan3A_145 : i32
    %scan3A_147 = arith.constant 1 : i32
    scf.for %scan3A_153 = %scan3A_144 to %scan3A_146 step %scan3A_147  : i32 {
      %mul3A_154 = arith.constant 5 : i32
      %mul3A_155 = arith.muli %scan3A_153, %mul3A_154 : i32
      %add3A_156 = vector.broadcast %mul3A_155 : i32 to vector<16xi32>
      %add3A_157 = arith.addi %mul3A_143, %add3A_156 : vector<16xi32>
      %add3A_158 = arith.constant 0 : i32
      %add3A_159 = vector.broadcast %add3A_158 : i32 to vector<16xi32>
      %add3A_160 = arith.addi %add3A_157, %add3A_159 : vector<16xi32>
      %gather3A = tpu.vector_load_idx %arg9[%add3A_160] : memref<10000xi32, #tpu.memory_space<vmem>>[vector<16xi32>], vector<16xi32>,
      %gather3A_161 = tpu.vector_load_idx %arg10[%add3A_160] : memref<10000xi32, #tpu.memory_space<vmem>>[vector<16xi32>], vector<16xi32>,
      %gather3A_162 = tpu.vector_load_idx %arg11[%add3A_160] : memref<10000xf32, #tpu.memory_space<vmem>>[vector<16xi32>], vector<16xf32>,
      %gather3A_163 = tpu.vector_load_idx %arg13[%gather3A] : memref<128xf32, #tpu.memory_space<vmem>>[vector<16xi32>], vector<16xf32>,
      tpu.vector_store_idx %arg12[%add3A_160], %gather3A_163 : memref<10000xf32, #tpu.memory_space<vmem>>[vector<16xi32>], vector<16xf32>,
      tpu.vector_store_idx %arg14[%gather3A_161], %gather3A_162 {add = true} : memref<512xf32, #tpu.memory_space<vmem>>[vector<16xi32>], vector<16xf32>,
      tpu.vector_store_idx %arg15[%gather3A_161], %gather3A_163 {add = true} : memref<512xf32, #tpu.memory_space<vmem>>[vector<16xi32>], vector<16xf32>,
      %mul3A_164 = arith.constant 5 : i32
      %mul3A_165 = arith.muli %scan3A_153, %mul3A_164 : i32
      %add3A_166 = vector.broadcast %mul3A_165 : i32 to vector<16xi32>
      %add3A_167 = arith.addi %mul3A_143, %add3A_166 : vector<16xi32>
      %add3A_168 = arith.constant 1 : i32
      %add3A_169 = vector.broadcast %add3A_168 : i32 to vector<16xi32>
      %add3A_170 = arith.addi %add3A_167, %add3A_169 : vector<16xi32>
      %gather3A_171 = tpu.vector_load_idx %arg9[%add3A_170] : memref<10000xi32, #tpu.memory_space<vmem>>[vector<16xi32>], vector<16xi32>,
      %gather3A_172 = tpu.vector_load_idx %arg10[%add3A_170] : memref<10000xi32, #tpu.memory_space<vmem>>[vector<16xi32>], vector<16xi32>,
      %gather3A_173 = tpu.vector_load_idx %arg11[%add3A_170] : memref<10000xf32, #tpu.memory_space<vmem>>[vector<16xi32>], vector<16xf32>,
      %gather3A_174 = tpu.vector_load_idx %arg13[%gather3A_171] : memref<128xf32, #tpu.memory_space<vmem>>[vector<16xi32>], vector<16xf32>,
      tpu.vector_store_idx %arg12[%add3A_170], %gather3A_174 : memref<10000xf32, #tpu.memory_space<vmem>>[vector<16xi32>], vector<16xf32>,
      tpu.vector_store_idx %arg14[%gather3A_172], %gather3A_173 {add = true} : memref<512xf32, #tpu.memory_space<vmem>>[vector<16xi32>], vector<16xf32>,
      tpu.vector_store_idx %arg15[%gather3A_172], %gather3A_174 {add = true} : memref<512xf32, #tpu.memory_space<vmem>>[vector<16xi32>], vector<16xf32>,
      %mul3A_175 = arith.constant 5 : i32
      %mul3A_176 = arith.muli %scan3A_153, %mul3A_175 : i32
      %add3A_177 = vector.broadcast %mul3A_176 : i32 to vector<16xi32>
      %add3A_178 = arith.addi %mul3A_143, %add3A_177 : vector<16xi32>
      %add3A_179 = arith.constant 2 : i32
      %add3A_180 = vector.broadcast %add3A_179 : i32 to vector<16xi32>
      %add3A_181 = arith.addi %add3A_178, %add3A_180 : vector<16xi32>
      %gather3A_182 = tpu.vector_load_idx %arg9[%add3A_181] : memref<10000xi32, #tpu.memory_space<vmem>>[vector<16xi32>], vector<16xi32>,
      %gather3A_183 = tpu.vector_load_idx %arg10[%add3A_181] : memref<10000xi32, #tpu.memory_space<vmem>>[vector<16xi32>], vector<16xi32>,
      %gather3A_184 = tpu.vector_load_idx %arg11[%add3A_181] : memref<10000xf32, #tpu.memory_space<vmem>>[vector<16xi32>], vector<16xf32>,
      %gather3A_185 = tpu.vector_load_idx %arg13[%gather3A_182] : memref<128xf32, #tpu.memory_space<vmem>>[vector<16xi32>], vector<16xf32>,
      tpu.vector_store_idx %arg12[%add3A_181], %gather3A_185 : memref<10000xf32, #tpu.memory_space<vmem>>[vector<16xi32>], vector<16xf32>,
      tpu.vector_store_idx %arg14[%gather3A_183], %gather3A_184 {add = true} : memref<512xf32, #tpu.memory_space<vmem>>[vector<16xi32>], vector<16xf32>,
      tpu.vector_store_idx %arg15[%gather3A_183], %gather3A_185 {add = true} : memref<512xf32, #tpu.memory_space<vmem>>[vector<16xi32>], vector<16xf32>,
      %mul3A_186 = arith.constant 5 : i32
      %mul3A_187 = arith.muli %scan3A_153, %mul3A_186 : i32
      %add3A_188 = vector.broadcast %mul3A_187 : i32 to vector<16xi32>
      %add3A_189 = arith.addi %mul3A_143, %add3A_188 : vector<16xi32>
      %add3A_190 = arith.constant 3 : i32
      %add3A_191 = vector.broadcast %add3A_190 : i32 to vector<16xi32>
      %add3A_192 = arith.addi %add3A_189, %add3A_191 : vector<16xi32>
      %gather3A_193 = tpu.vector_load_idx %arg9[%add3A_192] : memref<10000xi32, #tpu.memory_space<vmem>>[vector<16xi32>], vector<16xi32>,
      %gather3A_194 = tpu.vector_load_idx %arg10[%add3A_192] : memref<10000xi32, #tpu.memory_space<vmem>>[vector<16xi32>], vector<16xi32>,
      %gather3A_195 = tpu.vector_load_idx %arg11[%add3A_192] : memref<10000xf32, #tpu.memory_space<vmem>>[vector<16xi32>], vector<16xf32>,
      %gather3A_196 = tpu.vector_load_idx %arg13[%gather3A_193] : memref<128xf32, #tpu.memory_space<vmem>>[vector<16xi32>], vector<16xf32>,
      tpu.vector_store_idx %arg12[%add3A_192], %gather3A_196 : memref<10000xf32, #tpu.memory_space<vmem>>[vector<16xi32>], vector<16xf32>,
      tpu.vector_store_idx %arg14[%gather3A_194], %gather3A_195 {add = true} : memref<512xf32, #tpu.memory_space<vmem>>[vector<16xi32>], vector<16xf32>,
      tpu.vector_store_idx %arg15[%gather3A_194], %gather3A_196 {add = true} : memref<512xf32, #tpu.memory_space<vmem>>[vector<16xi32>], vector<16xf32>,
      %mul3A_197 = arith.constant 5 : i32
      %mul3A_198 = arith.muli %scan3A_153, %mul3A_197 : i32
      %add3A_199 = vector.broadcast %mul3A_198 : i32 to vector<16xi32>
      %add3A_200 = arith.addi %mul3A_143, %add3A_199 : vector<16xi32>
      %add3A_201 = arith.constant 4 : i32
      %add3A_202 = vector.broadcast %add3A_201 : i32 to vector<16xi32>
      %add3A_203 = arith.addi %add3A_200, %add3A_202 : vector<16xi32>
      %gather3A_204 = tpu.vector_load_idx %arg9[%add3A_203] : memref<10000xi32, #tpu.memory_space<vmem>>[vector<16xi32>], vector<16xi32>,
      %gather3A_205 = tpu.vector_load_idx %arg10[%add3A_203] : memref<10000xi32, #tpu.memory_space<vmem>>[vector<16xi32>], vector<16xi32>,
      %gather3A_206 = tpu.vector_load_idx %arg11[%add3A_203] : memref<10000xf32, #tpu.memory_space<vmem>>[vector<16xi32>], vector<16xf32>,
      %gather3A_207 = tpu.vector_load_idx %arg13[%gather3A_204] : memref<128xf32, #tpu.memory_space<vmem>>[vector<16xi32>], vector<16xf32>,
      tpu.vector_store_idx %arg12[%add3A_203], %gather3A_207 : memref<10000xf32, #tpu.memory_space<vmem>>[vector<16xi32>], vector<16xf32>,
      tpu.vector_store_idx %arg14[%gather3A_205], %gather3A_206 {add = true} : memref<512xf32, #tpu.memory_space<vmem>>[vector<16xi32>], vector<16xf32>,
      tpu.vector_store_idx %arg15[%gather3A_205], %gather3A_207 {add = true} : memref<512xf32, #tpu.memory_space<vmem>>[vector<16xi32>], vector<16xf32>,
    }
    %scan3A_148 = arith.constant 125 : i32
    "tpu.region"() ({
      %run_scoped3A = tpu.sem_alloc : memref<!tpu.dma_semaphore, #tpu.memory_space<semaphore_mem>>
      %dma_start3A_153 = tpu.memref_slice %arg6[%mul3A_2] : memref<320000xf32, #tpu.memory_space<hbm>> -> memref<10000xf32, #tpu.memory_space<hbm>>
      %dma_start3A_154 = tpu.memref_slice %arg6[%mul3A_2] : memref<320000xf32, #tpu.memory_space<hbm>> -> memref<10000xf32, #tpu.memory_space<hbm>>
      tpu.enqueue_dma source(%arg12 : memref<10000xf32, #tpu.memory_space<vmem>>) target(%dma_start3A_154 : memref<10000xf32, #tpu.memory_space<hbm>>) target_semaphore(%run_scoped3A : memref<!tpu.dma_semaphore, #tpu.memory_space<semaphore_mem>>)
      %dma_wait3A_155 = tpu.memref_slice %arg6[%mul3A_2] : memref<320000xf32, #tpu.memory_space<hbm>> -> memref<10000xf32, #tpu.memory_space<hbm>>
      %dma_wait3A_156 = tpu.memref_slice %arg6[%mul3A_2] : memref<320000xf32, #tpu.memory_space<hbm>> -> memref<10000xf32, #tpu.memory_space<hbm>>
      tpu.wait_dma2 semaphore(%run_scoped3A : memref<!tpu.dma_semaphore, #tpu.memory_space<semaphore_mem>>) src(%arg12 : memref<10000xf32, #tpu.memory_space<vmem>>) dst(%dma_wait3A_156 : memref<10000xf32, #tpu.memory_space<hbm>>)
      tpu.yield
    }) : () -> ()
    %mul3A_149 = arith.constant 512 : i32
    %mul3A_150 = arith.muli %add3A, %mul3A_149 : i32
    "tpu.region"() ({
      %run_scoped3A = tpu.sem_alloc : memref<!tpu.dma_semaphore, #tpu.memory_space<semaphore_mem>>
      %dma_start3A_153 = tpu.memref_slice %arg7[%mul3A_150] : memref<16384xf32, #tpu.memory_space<hbm>> -> memref<512xf32, #tpu.memory_space<hbm>>
      %dma_start3A_154 = tpu.memref_slice %arg7[%mul3A_150] : memref<16384xf32, #tpu.memory_space<hbm>> -> memref<512xf32, #tpu.memory_space<hbm>>
      tpu.enqueue_dma source(%arg14 : memref<512xf32, #tpu.memory_space<vmem>>) target(%dma_start3A_154 : memref<512xf32, #tpu.memory_space<hbm>>) target_semaphore(%run_scoped3A : memref<!tpu.dma_semaphore, #tpu.memory_space<semaphore_mem>>)
      %dma_wait3A_155 = tpu.memref_slice %arg7[%mul3A_150] : memref<16384xf32, #tpu.memory_space<hbm>> -> memref<512xf32, #tpu.memory_space<hbm>>
      %dma_wait3A_156 = tpu.memref_slice %arg7[%mul3A_150] : memref<16384xf32, #tpu.memory_space<hbm>> -> memref<512xf32, #tpu.memory_space<hbm>>
      tpu.wait_dma2 semaphore(%run_scoped3A : memref<!tpu.dma_semaphore, #tpu.memory_space<semaphore_mem>>) src(%arg14 : memref<512xf32, #tpu.memory_space<vmem>>) dst(%dma_wait3A_156 : memref<512xf32, #tpu.memory_space<hbm>>)
      tpu.yield
    }) : () -> ()
    %mul3A_151 = arith.constant 512 : i32
    %mul3A_152 = arith.muli %add3A, %mul3A_151 : i32
    "tpu.region"() ({
      %run_scoped3A = tpu.sem_alloc : memref<!tpu.dma_semaphore, #tpu.memory_space<semaphore_mem>>
      %dma_start3A_153 = tpu.memref_slice %arg8[%mul3A_152] : memref<16384xf32, #tpu.memory_space<hbm>> -> memref<512xf32, #tpu.memory_space<hbm>>
      %dma_start3A_154 = tpu.memref_slice %arg8[%mul3A_152] : memref<16384xf32, #tpu.memory_space<hbm>> -> memref<512xf32, #tpu.memory_space<hbm>>
      tpu.enqueue_dma source(%arg15 : memref<512xf32, #tpu.memory_space<vmem>>) target(%dma_start3A_154 : memref<512xf32, #tpu.memory_space<hbm>>) target_semaphore(%run_scoped3A : memref<!tpu.dma_semaphore, #tpu.memory_space<semaphore_mem>>)
      %dma_wait3A_155 = tpu.memref_slice %arg8[%mul3A_152] : memref<16384xf32, #tpu.memory_space<hbm>> -> memref<512xf32, #tpu.memory_space<hbm>>
      %dma_wait3A_156 = tpu.memref_slice %arg8[%mul3A_152] : memref<16384xf32, #tpu.memory_space<hbm>> -> memref<512xf32, #tpu.memory_space<hbm>>
      tpu.wait_dma2 semaphore(%run_scoped3A : memref<!tpu.dma_semaphore, #tpu.memory_space<semaphore_mem>>) src(%arg15 : memref<512xf32, #tpu.memory_space<vmem>>) dst(%dma_wait3A_156 : memref<512xf32, #tpu.memory_space<hbm>>)
      tpu.yield
    }) : () -> ()
    return
  }
}

#map = affine_map<(d0, d1) -> (0)>
module attributes {stable_mosaic.version = 14 : i64} {
  func.func @final_body(%arg0: i32, %arg1: i32, %arg2: memref<16384xf32, #tpu.memory_space<hbm>>, %arg3: memref<16384xf32, #tpu.memory_space<hbm>>, %arg4: memref<512xf32, #tpu.memory_space<hbm>>, %arg5: memref<320000xf32, #tpu.memory_space<hbm>>, %arg6: memref<320000xf32, #tpu.memory_space<hbm>>, %arg7: memref<320000xi32, #tpu.memory_space<hbm>>, %arg8: memref<320000xf32, #tpu.memory_space<hbm>>, %arg9: memref<16384xf32, #tpu.memory_space<vmem>>, %arg10: memref<16384xf32, #tpu.memory_space<vmem>>, %arg11: memref<512xf32, #tpu.memory_space<vmem>>, %arg12: memref<512xf32, #tpu.memory_space<vmem>>, %arg13: memref<10000xf32, #tpu.memory_space<vmem>>, %arg14: memref<10000xf32, #tpu.memory_space<vmem>>, %arg15: memref<10000xi32, #tpu.memory_space<vmem>>, %arg16: memref<10000xf32, #tpu.memory_space<vmem>>, %arg17: memref<!tpu.dma_semaphore, #tpu.memory_space<semaphore_mem>>, %arg18: memref<!tpu.dma_semaphore, #tpu.memory_space<semaphore_mem>>) attributes {dimension_semantics = [#tpu.dimension_semantics<core_parallel>, #tpu.dimension_semantics<subcore_parallel>], iteration_bounds = array<i64: 2, 16>, scalar_prefetch = 0 : i64, scratch_operands = 10 : i64, tpu.core_type = #tpu.core_type<sc_vector_subcore>, window_params = [{transform_indices = #map}, {transform_indices = #map}, {transform_indices = #map}, {transform_indices = #map}, {transform_indices = #map}, {transform_indices = #map}, {transform_indices = #map}]} {
    %mul3A = arith.constant 2 : i32
    %mul3A_0 = arith.muli %arg1, %mul3A : i32
    %add3A = arith.addi %mul3A_0, %arg0 : i32
    %mul3A_1 = arith.constant 10000 : i32
    %mul3A_2 = arith.muli %add3A, %mul3A_1 : i32
    tpu.enqueue_dma source(%arg2 : memref<16384xf32, #tpu.memory_space<hbm>>) target(%arg9 : memref<16384xf32, #tpu.memory_space<vmem>>) target_semaphore(%arg17 : memref<!tpu.dma_semaphore, #tpu.memory_space<semaphore_mem>>)
    tpu.enqueue_dma source(%arg3 : memref<16384xf32, #tpu.memory_space<hbm>>) target(%arg10 : memref<16384xf32, #tpu.memory_space<vmem>>) target_semaphore(%arg17 : memref<!tpu.dma_semaphore, #tpu.memory_space<semaphore_mem>>)
    tpu.enqueue_dma source(%arg4 : memref<512xf32, #tpu.memory_space<hbm>>) target(%arg11 : memref<512xf32, #tpu.memory_space<vmem>>) target_semaphore(%arg17 : memref<!tpu.dma_semaphore, #tpu.memory_space<semaphore_mem>>)
    %dma_start3A = tpu.memref_slice %arg5[%mul3A_2] : memref<320000xf32, #tpu.memory_space<hbm>> -> memref<10000xf32, #tpu.memory_space<hbm>>
    %dma_start3A_3 = tpu.memref_slice %arg5[%mul3A_2] : memref<320000xf32, #tpu.memory_space<hbm>> -> memref<10000xf32, #tpu.memory_space<hbm>>
    tpu.enqueue_dma source(%dma_start3A_3 : memref<10000xf32, #tpu.memory_space<hbm>>) target(%arg13 : memref<10000xf32, #tpu.memory_space<vmem>>) target_semaphore(%arg18 : memref<!tpu.dma_semaphore, #tpu.memory_space<semaphore_mem>>)
    %dma_start3A_4 = tpu.memref_slice %arg6[%mul3A_2] : memref<320000xf32, #tpu.memory_space<hbm>> -> memref<10000xf32, #tpu.memory_space<hbm>>
    %dma_start3A_5 = tpu.memref_slice %arg6[%mul3A_2] : memref<320000xf32, #tpu.memory_space<hbm>> -> memref<10000xf32, #tpu.memory_space<hbm>>
    tpu.enqueue_dma source(%dma_start3A_5 : memref<10000xf32, #tpu.memory_space<hbm>>) target(%arg14 : memref<10000xf32, #tpu.memory_space<vmem>>) target_semaphore(%arg18 : memref<!tpu.dma_semaphore, #tpu.memory_space<semaphore_mem>>)
    %dma_start3A_6 = tpu.memref_slice %arg7[%mul3A_2] : memref<320000xi32, #tpu.memory_space<hbm>> -> memref<10000xi32, #tpu.memory_space<hbm>>
    %dma_start3A_7 = tpu.memref_slice %arg7[%mul3A_2] : memref<320000xi32, #tpu.memory_space<hbm>> -> memref<10000xi32, #tpu.memory_space<hbm>>
    tpu.enqueue_dma source(%dma_start3A_7 : memref<10000xi32, #tpu.memory_space<hbm>>) target(%arg15 : memref<10000xi32, #tpu.memory_space<vmem>>) target_semaphore(%arg18 : memref<!tpu.dma_semaphore, #tpu.memory_space<semaphore_mem>>)
    tpu.wait_dma2 semaphore(%arg17 : memref<!tpu.dma_semaphore, #tpu.memory_space<semaphore_mem>>) src(%arg2 : memref<16384xf32, #tpu.memory_space<hbm>>) dst(%arg9 : memref<16384xf32, #tpu.memory_space<vmem>>)
    tpu.wait_dma2 semaphore(%arg17 : memref<!tpu.dma_semaphore, #tpu.memory_space<semaphore_mem>>) src(%arg3 : memref<16384xf32, #tpu.memory_space<hbm>>) dst(%arg10 : memref<16384xf32, #tpu.memory_space<vmem>>)
    tpu.wait_dma2 semaphore(%arg17 : memref<!tpu.dma_semaphore, #tpu.memory_space<semaphore_mem>>) src(%arg4 : memref<512xf32, #tpu.memory_space<hbm>>) dst(%arg11 : memref<512xf32, #tpu.memory_space<vmem>>)
    %broadcast_in_dim3A = arith.constant 0.000000e+00 : f32
    %broadcast_in_dim3A_8 = vector.broadcast %broadcast_in_dim3A : f32 to vector<16xf32>
    %scan3A = arith.constant 0 : i32
    %scan3A_9 = arith.constant 0 : i32
    %scan3A_10 = arith.constant 32 : i32
    %scan3A_11 = arith.addi %scan3A_9, %scan3A_10 : i32
    %scan3A_12 = arith.constant 1 : i32
    scf.for %scan3A_25 = %scan3A_9 to %scan3A_11 step %scan3A_12  : i32 {
      %mul3A_26 = arith.constant 16 : i32
      %mul3A_27 = arith.muli %scan3A_25, %mul3A_26 : i32
      %add3A_28 = arith.constant 0 : i32
      %add3A_29 = arith.addi %add3A_28, %mul3A_27 : i32
      %get3A = arith.index_cast %add3A_29 : i32 to index
      %get3A_30 = tpu.vector_load %arg9[%get3A] {strides = array<i32>} : memref<16384xf32, #tpu.memory_space<vmem>>, vector<16xf32>,
      %add3A_31 = arith.addf %broadcast_in_dim3A_8, %get3A_30 : vector<16xf32>
      %get3A_32 = arith.index_cast %add3A_29 : i32 to index
      %get3A_33 = tpu.vector_load %arg10[%get3A_32] {strides = array<i32>} : memref<16384xf32, #tpu.memory_space<vmem>>, vector<16xf32>,
      %add3A_34 = arith.addf %broadcast_in_dim3A_8, %get3A_33 : vector<16xf32>
      %mul3A_35 = arith.constant 16 : i32
      %mul3A_36 = arith.muli %scan3A_25, %mul3A_35 : i32
      %add3A_37 = arith.constant 512 : i32
      %add3A_38 = arith.addi %add3A_37, %mul3A_36 : i32
      %get3A_39 = arith.index_cast %add3A_38 : i32 to index
      %get3A_40 = tpu.vector_load %arg9[%get3A_39] {strides = array<i32>} : memref<16384xf32, #tpu.memory_space<vmem>>, vector<16xf32>,
      %add3A_41 = arith.addf %add3A_31, %get3A_40 : vector<16xf32>
      %get3A_42 = arith.index_cast %add3A_38 : i32 to index
      %get3A_43 = tpu.vector_load %arg10[%get3A_42] {strides = array<i32>} : memref<16384xf32, #tpu.memory_space<vmem>>, vector<16xf32>,
      %add3A_44 = arith.addf %add3A_34, %get3A_43 : vector<16xf32>
      %mul3A_45 = arith.constant 16 : i32
      %mul3A_46 = arith.muli %scan3A_25, %mul3A_45 : i32
      %add3A_47 = arith.constant 1024 : i32
      %add3A_48 = arith.addi %add3A_47, %mul3A_46 : i32
      %get3A_49 = arith.index_cast %add3A_48 : i32 to index
      %get3A_50 = tpu.vector_load %arg9[%get3A_49] {strides = array<i32>} : memref<16384xf32, #tpu.memory_space<vmem>>, vector<16xf32>,
      %add3A_51 = arith.addf %add3A_41, %get3A_50 : vector<16xf32>
      %get3A_52 = arith.index_cast %add3A_48 : i32 to index
      %get3A_53 = tpu.vector_load %arg10[%get3A_52] {strides = array<i32>} : memref<16384xf32, #tpu.memory_space<vmem>>, vector<16xf32>,
      %add3A_54 = arith.addf %add3A_44, %get3A_53 : vector<16xf32>
      %mul3A_55 = arith.constant 16 : i32
      %mul3A_56 = arith.muli %scan3A_25, %mul3A_55 : i32
      %add3A_57 = arith.constant 1536 : i32
      %add3A_58 = arith.addi %add3A_57, %mul3A_56 : i32
      %get3A_59 = arith.index_cast %add3A_58 : i32 to index
      %get3A_60 = tpu.vector_load %arg9[%get3A_59] {strides = array<i32>} : memref<16384xf32, #tpu.memory_space<vmem>>, vector<16xf32>,
      %add3A_61 = arith.addf %add3A_51, %get3A_60 : vector<16xf32>
      %get3A_62 = arith.index_cast %add3A_58 : i32 to index
      %get3A_63 = tpu.vector_load %arg10[%get3A_62] {strides = array<i32>} : memref<16384xf32, #tpu.memory_space<vmem>>, vector<16xf32>,
      %add3A_64 = arith.addf %add3A_54, %get3A_63 : vector<16xf32>
      %mul3A_65 = arith.constant 16 : i32
      %mul3A_66 = arith.muli %scan3A_25, %mul3A_65 : i32
      %add3A_67 = arith.constant 2048 : i32
      %add3A_68 = arith.addi %add3A_67, %mul3A_66 : i32
      %get3A_69 = arith.index_cast %add3A_68 : i32 to index
      %get3A_70 = tpu.vector_load %arg9[%get3A_69] {strides = array<i32>} : memref<16384xf32, #tpu.memory_space<vmem>>, vector<16xf32>,
      %add3A_71 = arith.addf %add3A_61, %get3A_70 : vector<16xf32>
      %get3A_72 = arith.index_cast %add3A_68 : i32 to index
      %get3A_73 = tpu.vector_load %arg10[%get3A_72] {strides = array<i32>} : memref<16384xf32, #tpu.memory_space<vmem>>, vector<16xf32>,
      %add3A_74 = arith.addf %add3A_64, %get3A_73 : vector<16xf32>
      %mul3A_75 = arith.constant 16 : i32
      %mul3A_76 = arith.muli %scan3A_25, %mul3A_75 : i32
      %add3A_77 = arith.constant 2560 : i32
      %add3A_78 = arith.addi %add3A_77, %mul3A_76 : i32
      %get3A_79 = arith.index_cast %add3A_78 : i32 to index
      %get3A_80 = tpu.vector_load %arg9[%get3A_79] {strides = array<i32>} : memref<16384xf32, #tpu.memory_space<vmem>>, vector<16xf32>,
      %add3A_81 = arith.addf %add3A_71, %get3A_80 : vector<16xf32>
      %get3A_82 = arith.index_cast %add3A_78 : i32 to index
      %get3A_83 = tpu.vector_load %arg10[%get3A_82] {strides = array<i32>} : memref<16384xf32, #tpu.memory_space<vmem>>, vector<16xf32>,
      %add3A_84 = arith.addf %add3A_74, %get3A_83 : vector<16xf32>
      %mul3A_85 = arith.constant 16 : i32
      %mul3A_86 = arith.muli %scan3A_25, %mul3A_85 : i32
      %add3A_87 = arith.constant 3072 : i32
      %add3A_88 = arith.addi %add3A_87, %mul3A_86 : i32
      %get3A_89 = arith.index_cast %add3A_88 : i32 to index
      %get3A_90 = tpu.vector_load %arg9[%get3A_89] {strides = array<i32>} : memref<16384xf32, #tpu.memory_space<vmem>>, vector<16xf32>,
      %add3A_91 = arith.addf %add3A_81, %get3A_90 : vector<16xf32>
      %get3A_92 = arith.index_cast %add3A_88 : i32 to index
      %get3A_93 = tpu.vector_load %arg10[%get3A_92] {strides = array<i32>} : memref<16384xf32, #tpu.memory_space<vmem>>, vector<16xf32>,
      %add3A_94 = arith.addf %add3A_84, %get3A_93 : vector<16xf32>
      %mul3A_95 = arith.constant 16 : i32
      %mul3A_96 = arith.muli %scan3A_25, %mul3A_95 : i32
      %add3A_97 = arith.constant 3584 : i32
      %add3A_98 = arith.addi %add3A_97, %mul3A_96 : i32
      %get3A_99 = arith.index_cast %add3A_98 : i32 to index
      %get3A_100 = tpu.vector_load %arg9[%get3A_99] {strides = array<i32>} : memref<16384xf32, #tpu.memory_space<vmem>>, vector<16xf32>,
      %add3A_101 = arith.addf %add3A_91, %get3A_100 : vector<16xf32>
      %get3A_102 = arith.index_cast %add3A_98 : i32 to index
      %get3A_103 = tpu.vector_load %arg10[%get3A_102] {strides = array<i32>} : memref<16384xf32, #tpu.memory_space<vmem>>, vector<16xf32>,
      %add3A_104 = arith.addf %add3A_94, %get3A_103 : vector<16xf32>
      %mul3A_105 = arith.constant 16 : i32
      %mul3A_106 = arith.muli %scan3A_25, %mul3A_105 : i32
      %add3A_107 = arith.constant 4096 : i32
      %add3A_108 = arith.addi %add3A_107, %mul3A_106 : i32
      %get3A_109 = arith.index_cast %add3A_108 : i32 to index
      %get3A_110 = tpu.vector_load %arg9[%get3A_109] {strides = array<i32>} : memref<16384xf32, #tpu.memory_space<vmem>>, vector<16xf32>,
      %add3A_111 = arith.addf %add3A_101, %get3A_110 : vector<16xf32>
      %get3A_112 = arith.index_cast %add3A_108 : i32 to index
      %get3A_113 = tpu.vector_load %arg10[%get3A_112] {strides = array<i32>} : memref<16384xf32, #tpu.memory_space<vmem>>, vector<16xf32>,
      %add3A_114 = arith.addf %add3A_104, %get3A_113 : vector<16xf32>
      %mul3A_115 = arith.constant 16 : i32
      %mul3A_116 = arith.muli %scan3A_25, %mul3A_115 : i32
      %add3A_117 = arith.constant 4608 : i32
      %add3A_118 = arith.addi %add3A_117, %mul3A_116 : i32
      %get3A_119 = arith.index_cast %add3A_118 : i32 to index
      %get3A_120 = tpu.vector_load %arg9[%get3A_119] {strides = array<i32>} : memref<16384xf32, #tpu.memory_space<vmem>>, vector<16xf32>,
      %add3A_121 = arith.addf %add3A_111, %get3A_120 : vector<16xf32>
      %get3A_122 = arith.index_cast %add3A_118 : i32 to index
      %get3A_123 = tpu.vector_load %arg10[%get3A_122] {strides = array<i32>} : memref<16384xf32, #tpu.memory_space<vmem>>, vector<16xf32>,
      %add3A_124 = arith.addf %add3A_114, %get3A_123 : vector<16xf32>
      %mul3A_125 = arith.constant 16 : i32
      %mul3A_126 = arith.muli %scan3A_25, %mul3A_125 : i32
      %add3A_127 = arith.constant 5120 : i32
      %add3A_128 = arith.addi %add3A_127, %mul3A_126 : i32
      %get3A_129 = arith.index_cast %add3A_128 : i32 to index
      %get3A_130 = tpu.vector_load %arg9[%get3A_129] {strides = array<i32>} : memref<16384xf32, #tpu.memory_space<vmem>>, vector<16xf32>,
      %add3A_131 = arith.addf %add3A_121, %get3A_130 : vector<16xf32>
      %get3A_132 = arith.index_cast %add3A_128 : i32 to index
      %get3A_133 = tpu.vector_load %arg10[%get3A_132] {strides = array<i32>} : memref<16384xf32, #tpu.memory_space<vmem>>, vector<16xf32>,
      %add3A_134 = arith.addf %add3A_124, %get3A_133 : vector<16xf32>
      %mul3A_135 = arith.constant 16 : i32
      %mul3A_136 = arith.muli %scan3A_25, %mul3A_135 : i32
      %add3A_137 = arith.constant 5632 : i32
      %add3A_138 = arith.addi %add3A_137, %mul3A_136 : i32
      %get3A_139 = arith.index_cast %add3A_138 : i32 to index
      %get3A_140 = tpu.vector_load %arg9[%get3A_139] {strides = array<i32>} : memref<16384xf32, #tpu.memory_space<vmem>>, vector<16xf32>,
      %add3A_141 = arith.addf %add3A_131, %get3A_140 : vector<16xf32>
      %get3A_142 = arith.index_cast %add3A_138 : i32 to index
      %get3A_143 = tpu.vector_load %arg10[%get3A_142] {strides = array<i32>} : memref<16384xf32, #tpu.memory_space<vmem>>, vector<16xf32>,
      %add3A_144 = arith.addf %add3A_134, %get3A_143 : vector<16xf32>
      %mul3A_145 = arith.constant 16 : i32
      %mul3A_146 = arith.muli %scan3A_25, %mul3A_145 : i32
      %add3A_147 = arith.constant 6144 : i32
      %add3A_148 = arith.addi %add3A_147, %mul3A_146 : i32
      %get3A_149 = arith.index_cast %add3A_148 : i32 to index
      %get3A_150 = tpu.vector_load %arg9[%get3A_149] {strides = array<i32>} : memref<16384xf32, #tpu.memory_space<vmem>>, vector<16xf32>,
      %add3A_151 = arith.addf %add3A_141, %get3A_150 : vector<16xf32>
      %get3A_152 = arith.index_cast %add3A_148 : i32 to index
      %get3A_153 = tpu.vector_load %arg10[%get3A_152] {strides = array<i32>} : memref<16384xf32, #tpu.memory_space<vmem>>, vector<16xf32>,
      %add3A_154 = arith.addf %add3A_144, %get3A_153 : vector<16xf32>
      %mul3A_155 = arith.constant 16 : i32
      %mul3A_156 = arith.muli %scan3A_25, %mul3A_155 : i32
      %add3A_157 = arith.constant 6656 : i32
      %add3A_158 = arith.addi %add3A_157, %mul3A_156 : i32
      %get3A_159 = arith.index_cast %add3A_158 : i32 to index
      %get3A_160 = tpu.vector_load %arg9[%get3A_159] {strides = array<i32>} : memref<16384xf32, #tpu.memory_space<vmem>>, vector<16xf32>,
      %add3A_161 = arith.addf %add3A_151, %get3A_160 : vector<16xf32>
      %get3A_162 = arith.index_cast %add3A_158 : i32 to index
      %get3A_163 = tpu.vector_load %arg10[%get3A_162] {strides = array<i32>} : memref<16384xf32, #tpu.memory_space<vmem>>, vector<16xf32>,
      %add3A_164 = arith.addf %add3A_154, %get3A_163 : vector<16xf32>
      %mul3A_165 = arith.constant 16 : i32
      %mul3A_166 = arith.muli %scan3A_25, %mul3A_165 : i32
      %add3A_167 = arith.constant 7168 : i32
      %add3A_168 = arith.addi %add3A_167, %mul3A_166 : i32
      %get3A_169 = arith.index_cast %add3A_168 : i32 to index
      %get3A_170 = tpu.vector_load %arg9[%get3A_169] {strides = array<i32>} : memref<16384xf32, #tpu.memory_space<vmem>>, vector<16xf32>,
      %add3A_171 = arith.addf %add3A_161, %get3A_170 : vector<16xf32>
      %get3A_172 = arith.index_cast %add3A_168 : i32 to index
      %get3A_173 = tpu.vector_load %arg10[%get3A_172] {strides = array<i32>} : memref<16384xf32, #tpu.memory_space<vmem>>, vector<16xf32>,
      %add3A_174 = arith.addf %add3A_164, %get3A_173 : vector<16xf32>
      %mul3A_175 = arith.constant 16 : i32
      %mul3A_176 = arith.muli %scan3A_25, %mul3A_175 : i32
      %add3A_177 = arith.constant 7680 : i32
      %add3A_178 = arith.addi %add3A_177, %mul3A_176 : i32
      %get3A_179 = arith.index_cast %add3A_178 : i32 to index
      %get3A_180 = tpu.vector_load %arg9[%get3A_179] {strides = array<i32>} : memref<16384xf32, #tpu.memory_space<vmem>>, vector<16xf32>,
      %add3A_181 = arith.addf %add3A_171, %get3A_180 : vector<16xf32>
      %get3A_182 = arith.index_cast %add3A_178 : i32 to index
      %get3A_183 = tpu.vector_load %arg10[%get3A_182] {strides = array<i32>} : memref<16384xf32, #tpu.memory_space<vmem>>, vector<16xf32>,
      %add3A_184 = arith.addf %add3A_174, %get3A_183 : vector<16xf32>
      %mul3A_185 = arith.constant 16 : i32
      %mul3A_186 = arith.muli %scan3A_25, %mul3A_185 : i32
      %add3A_187 = arith.constant 8192 : i32
      %add3A_188 = arith.addi %add3A_187, %mul3A_186 : i32
      %get3A_189 = arith.index_cast %add3A_188 : i32 to index
      %get3A_190 = tpu.vector_load %arg9[%get3A_189] {strides = array<i32>} : memref<16384xf32, #tpu.memory_space<vmem>>, vector<16xf32>,
      %add3A_191 = arith.addf %add3A_181, %get3A_190 : vector<16xf32>
      %get3A_192 = arith.index_cast %add3A_188 : i32 to index
      %get3A_193 = tpu.vector_load %arg10[%get3A_192] {strides = array<i32>} : memref<16384xf32, #tpu.memory_space<vmem>>, vector<16xf32>,
      %add3A_194 = arith.addf %add3A_184, %get3A_193 : vector<16xf32>
      %mul3A_195 = arith.constant 16 : i32
      %mul3A_196 = arith.muli %scan3A_25, %mul3A_195 : i32
      %add3A_197 = arith.constant 8704 : i32
      %add3A_198 = arith.addi %add3A_197, %mul3A_196 : i32
      %get3A_199 = arith.index_cast %add3A_198 : i32 to index
      %get3A_200 = tpu.vector_load %arg9[%get3A_199] {strides = array<i32>} : memref<16384xf32, #tpu.memory_space<vmem>>, vector<16xf32>,
      %add3A_201 = arith.addf %add3A_191, %get3A_200 : vector<16xf32>
      %get3A_202 = arith.index_cast %add3A_198 : i32 to index
      %get3A_203 = tpu.vector_load %arg10[%get3A_202] {strides = array<i32>} : memref<16384xf32, #tpu.memory_space<vmem>>, vector<16xf32>,
      %add3A_204 = arith.addf %add3A_194, %get3A_203 : vector<16xf32>
      %mul3A_205 = arith.constant 16 : i32
      %mul3A_206 = arith.muli %scan3A_25, %mul3A_205 : i32
      %add3A_207 = arith.constant 9216 : i32
      %add3A_208 = arith.addi %add3A_207, %mul3A_206 : i32
      %get3A_209 = arith.index_cast %add3A_208 : i32 to index
      %get3A_210 = tpu.vector_load %arg9[%get3A_209] {strides = array<i32>} : memref<16384xf32, #tpu.memory_space<vmem>>, vector<16xf32>,
      %add3A_211 = arith.addf %add3A_201, %get3A_210 : vector<16xf32>
      %get3A_212 = arith.index_cast %add3A_208 : i32 to index
      %get3A_213 = tpu.vector_load %arg10[%get3A_212] {strides = array<i32>} : memref<16384xf32, #tpu.memory_space<vmem>>, vector<16xf32>,
      %add3A_214 = arith.addf %add3A_204, %get3A_213 : vector<16xf32>
      %mul3A_215 = arith.constant 16 : i32
      %mul3A_216 = arith.muli %scan3A_25, %mul3A_215 : i32
      %add3A_217 = arith.constant 9728 : i32
      %add3A_218 = arith.addi %add3A_217, %mul3A_216 : i32
      %get3A_219 = arith.index_cast %add3A_218 : i32 to index
      %get3A_220 = tpu.vector_load %arg9[%get3A_219] {strides = array<i32>} : memref<16384xf32, #tpu.memory_space<vmem>>, vector<16xf32>,
      %add3A_221 = arith.addf %add3A_211, %get3A_220 : vector<16xf32>
      %get3A_222 = arith.index_cast %add3A_218 : i32 to index
      %get3A_223 = tpu.vector_load %arg10[%get3A_222] {strides = array<i32>} : memref<16384xf32, #tpu.memory_space<vmem>>, vector<16xf32>,
      %add3A_224 = arith.addf %add3A_214, %get3A_223 : vector<16xf32>
      %mul3A_225 = arith.constant 16 : i32
      %mul3A_226 = arith.muli %scan3A_25, %mul3A_225 : i32
      %add3A_227 = arith.constant 10240 : i32
      %add3A_228 = arith.addi %add3A_227, %mul3A_226 : i32
      %get3A_229 = arith.index_cast %add3A_228 : i32 to index
      %get3A_230 = tpu.vector_load %arg9[%get3A_229] {strides = array<i32>} : memref<16384xf32, #tpu.memory_space<vmem>>, vector<16xf32>,
      %add3A_231 = arith.addf %add3A_221, %get3A_230 : vector<16xf32>
      %get3A_232 = arith.index_cast %add3A_228 : i32 to index
      %get3A_233 = tpu.vector_load %arg10[%get3A_232] {strides = array<i32>} : memref<16384xf32, #tpu.memory_space<vmem>>, vector<16xf32>,
      %add3A_234 = arith.addf %add3A_224, %get3A_233 : vector<16xf32>
      %mul3A_235 = arith.constant 16 : i32
      %mul3A_236 = arith.muli %scan3A_25, %mul3A_235 : i32
      %add3A_237 = arith.constant 10752 : i32
      %add3A_238 = arith.addi %add3A_237, %mul3A_236 : i32
      %get3A_239 = arith.index_cast %add3A_238 : i32 to index
      %get3A_240 = tpu.vector_load %arg9[%get3A_239] {strides = array<i32>} : memref<16384xf32, #tpu.memory_space<vmem>>, vector<16xf32>,
      %add3A_241 = arith.addf %add3A_231, %get3A_240 : vector<16xf32>
      %get3A_242 = arith.index_cast %add3A_238 : i32 to index
      %get3A_243 = tpu.vector_load %arg10[%get3A_242] {strides = array<i32>} : memref<16384xf32, #tpu.memory_space<vmem>>, vector<16xf32>,
      %add3A_244 = arith.addf %add3A_234, %get3A_243 : vector<16xf32>
      %mul3A_245 = arith.constant 16 : i32
      %mul3A_246 = arith.muli %scan3A_25, %mul3A_245 : i32
      %add3A_247 = arith.constant 11264 : i32
      %add3A_248 = arith.addi %add3A_247, %mul3A_246 : i32
      %get3A_249 = arith.index_cast %add3A_248 : i32 to index
      %get3A_250 = tpu.vector_load %arg9[%get3A_249] {strides = array<i32>} : memref<16384xf32, #tpu.memory_space<vmem>>, vector<16xf32>,
      %add3A_251 = arith.addf %add3A_241, %get3A_250 : vector<16xf32>
      %get3A_252 = arith.index_cast %add3A_248 : i32 to index
      %get3A_253 = tpu.vector_load %arg10[%get3A_252] {strides = array<i32>} : memref<16384xf32, #tpu.memory_space<vmem>>, vector<16xf32>,
      %add3A_254 = arith.addf %add3A_244, %get3A_253 : vector<16xf32>
      %mul3A_255 = arith.constant 16 : i32
      %mul3A_256 = arith.muli %scan3A_25, %mul3A_255 : i32
      %add3A_257 = arith.constant 11776 : i32
      %add3A_258 = arith.addi %add3A_257, %mul3A_256 : i32
      %get3A_259 = arith.index_cast %add3A_258 : i32 to index
      %get3A_260 = tpu.vector_load %arg9[%get3A_259] {strides = array<i32>} : memref<16384xf32, #tpu.memory_space<vmem>>, vector<16xf32>,
      %add3A_261 = arith.addf %add3A_251, %get3A_260 : vector<16xf32>
      %get3A_262 = arith.index_cast %add3A_258 : i32 to index
      %get3A_263 = tpu.vector_load %arg10[%get3A_262] {strides = array<i32>} : memref<16384xf32, #tpu.memory_space<vmem>>, vector<16xf32>,
      %add3A_264 = arith.addf %add3A_254, %get3A_263 : vector<16xf32>
      %mul3A_265 = arith.constant 16 : i32
      %mul3A_266 = arith.muli %scan3A_25, %mul3A_265 : i32
      %add3A_267 = arith.constant 12288 : i32
      %add3A_268 = arith.addi %add3A_267, %mul3A_266 : i32
      %get3A_269 = arith.index_cast %add3A_268 : i32 to index
      %get3A_270 = tpu.vector_load %arg9[%get3A_269] {strides = array<i32>} : memref<16384xf32, #tpu.memory_space<vmem>>, vector<16xf32>,
      %add3A_271 = arith.addf %add3A_261, %get3A_270 : vector<16xf32>
      %get3A_272 = arith.index_cast %add3A_268 : i32 to index
      %get3A_273 = tpu.vector_load %arg10[%get3A_272] {strides = array<i32>} : memref<16384xf32, #tpu.memory_space<vmem>>, vector<16xf32>,
      %add3A_274 = arith.addf %add3A_264, %get3A_273 : vector<16xf32>
      %mul3A_275 = arith.constant 16 : i32
      %mul3A_276 = arith.muli %scan3A_25, %mul3A_275 : i32
      %add3A_277 = arith.constant 12800 : i32
      %add3A_278 = arith.addi %add3A_277, %mul3A_276 : i32
      %get3A_279 = arith.index_cast %add3A_278 : i32 to index
      %get3A_280 = tpu.vector_load %arg9[%get3A_279] {strides = array<i32>} : memref<16384xf32, #tpu.memory_space<vmem>>, vector<16xf32>,
      %add3A_281 = arith.addf %add3A_271, %get3A_280 : vector<16xf32>
      %get3A_282 = arith.index_cast %add3A_278 : i32 to index
      %get3A_283 = tpu.vector_load %arg10[%get3A_282] {strides = array<i32>} : memref<16384xf32, #tpu.memory_space<vmem>>, vector<16xf32>,
      %add3A_284 = arith.addf %add3A_274, %get3A_283 : vector<16xf32>
      %mul3A_285 = arith.constant 16 : i32
      %mul3A_286 = arith.muli %scan3A_25, %mul3A_285 : i32
      %add3A_287 = arith.constant 13312 : i32
      %add3A_288 = arith.addi %add3A_287, %mul3A_286 : i32
      %get3A_289 = arith.index_cast %add3A_288 : i32 to index
      %get3A_290 = tpu.vector_load %arg9[%get3A_289] {strides = array<i32>} : memref<16384xf32, #tpu.memory_space<vmem>>, vector<16xf32>,
      %add3A_291 = arith.addf %add3A_281, %get3A_290 : vector<16xf32>
      %get3A_292 = arith.index_cast %add3A_288 : i32 to index
      %get3A_293 = tpu.vector_load %arg10[%get3A_292] {strides = array<i32>} : memref<16384xf32, #tpu.memory_space<vmem>>, vector<16xf32>,
      %add3A_294 = arith.addf %add3A_284, %get3A_293 : vector<16xf32>
      %mul3A_295 = arith.constant 16 : i32
      %mul3A_296 = arith.muli %scan3A_25, %mul3A_295 : i32
      %add3A_297 = arith.constant 13824 : i32
      %add3A_298 = arith.addi %add3A_297, %mul3A_296 : i32
      %get3A_299 = arith.index_cast %add3A_298 : i32 to index
      %get3A_300 = tpu.vector_load %arg9[%get3A_299] {strides = array<i32>} : memref<16384xf32, #tpu.memory_space<vmem>>, vector<16xf32>,
      %add3A_301 = arith.addf %add3A_291, %get3A_300 : vector<16xf32>
      %get3A_302 = arith.index_cast %add3A_298 : i32 to index
      %get3A_303 = tpu.vector_load %arg10[%get3A_302] {strides = array<i32>} : memref<16384xf32, #tpu.memory_space<vmem>>, vector<16xf32>,
      %add3A_304 = arith.addf %add3A_294, %get3A_303 : vector<16xf32>
      %mul3A_305 = arith.constant 16 : i32
      %mul3A_306 = arith.muli %scan3A_25, %mul3A_305 : i32
      %add3A_307 = arith.constant 14336 : i32
      %add3A_308 = arith.addi %add3A_307, %mul3A_306 : i32
      %get3A_309 = arith.index_cast %add3A_308 : i32 to index
      %get3A_310 = tpu.vector_load %arg9[%get3A_309] {strides = array<i32>} : memref<16384xf32, #tpu.memory_space<vmem>>, vector<16xf32>,
      %add3A_311 = arith.addf %add3A_301, %get3A_310 : vector<16xf32>
      %get3A_312 = arith.index_cast %add3A_308 : i32 to index
      %get3A_313 = tpu.vector_load %arg10[%get3A_312] {strides = array<i32>} : memref<16384xf32, #tpu.memory_space<vmem>>, vector<16xf32>,
      %add3A_314 = arith.addf %add3A_304, %get3A_313 : vector<16xf32>
      %mul3A_315 = arith.constant 16 : i32
      %mul3A_316 = arith.muli %scan3A_25, %mul3A_315 : i32
      %add3A_317 = arith.constant 14848 : i32
      %add3A_318 = arith.addi %add3A_317, %mul3A_316 : i32
      %get3A_319 = arith.index_cast %add3A_318 : i32 to index
      %get3A_320 = tpu.vector_load %arg9[%get3A_319] {strides = array<i32>} : memref<16384xf32, #tpu.memory_space<vmem>>, vector<16xf32>,
      %add3A_321 = arith.addf %add3A_311, %get3A_320 : vector<16xf32>
      %get3A_322 = arith.index_cast %add3A_318 : i32 to index
      %get3A_323 = tpu.vector_load %arg10[%get3A_322] {strides = array<i32>} : memref<16384xf32, #tpu.memory_space<vmem>>, vector<16xf32>,
      %add3A_324 = arith.addf %add3A_314, %get3A_323 : vector<16xf32>
      %mul3A_325 = arith.constant 16 : i32
      %mul3A_326 = arith.muli %scan3A_25, %mul3A_325 : i32
      %add3A_327 = arith.constant 15360 : i32
      %add3A_328 = arith.addi %add3A_327, %mul3A_326 : i32
      %get3A_329 = arith.index_cast %add3A_328 : i32 to index
      %get3A_330 = tpu.vector_load %arg9[%get3A_329] {strides = array<i32>} : memref<16384xf32, #tpu.memory_space<vmem>>, vector<16xf32>,
      %add3A_331 = arith.addf %add3A_321, %get3A_330 : vector<16xf32>
      %get3A_332 = arith.index_cast %add3A_328 : i32 to index
      %get3A_333 = tpu.vector_load %arg10[%get3A_332] {strides = array<i32>} : memref<16384xf32, #tpu.memory_space<vmem>>, vector<16xf32>,
      %add3A_334 = arith.addf %add3A_324, %get3A_333 : vector<16xf32>
      %mul3A_335 = arith.constant 16 : i32
      %mul3A_336 = arith.muli %scan3A_25, %mul3A_335 : i32
      %add3A_337 = arith.constant 15872 : i32
      %add3A_338 = arith.addi %add3A_337, %mul3A_336 : i32
      %get3A_339 = arith.index_cast %add3A_338 : i32 to index
      %get3A_340 = tpu.vector_load %arg9[%get3A_339] {strides = array<i32>} : memref<16384xf32, #tpu.memory_space<vmem>>, vector<16xf32>,
      %add3A_341 = arith.addf %add3A_331, %get3A_340 : vector<16xf32>
      %get3A_342 = arith.index_cast %add3A_338 : i32 to index
      %get3A_343 = tpu.vector_load %arg10[%get3A_342] {strides = array<i32>} : memref<16384xf32, #tpu.memory_space<vmem>>, vector<16xf32>,
      %add3A_344 = arith.addf %add3A_334, %get3A_343 : vector<16xf32>
      %mul3A_345 = arith.constant 16 : i32
      %mul3A_346 = arith.muli %scan3A_25, %mul3A_345 : i32
      %get3A_347 = arith.index_cast %mul3A_346 : i32 to index
      %get3A_348 = tpu.vector_load %arg11[%get3A_347] {strides = array<i32>} : memref<512xf32, #tpu.memory_space<vmem>>, vector<16xf32>,
      %sub3A = arith.subf %add3A_344, %get3A_348 : vector<16xf32>
      %div3A = arith.divf %sub3A, %add3A_341 : vector<16xf32>
      %mul3A_349 = arith.constant 16 : i32
      %mul3A_350 = arith.muli %scan3A_25, %mul3A_349 : i32
      %swap3A = arith.index_cast %mul3A_350 : i32 to index
      %swap3A_351 = tpu.vector_load %arg12[%swap3A] {strides = array<i32>} : memref<512xf32, #tpu.memory_space<vmem>>, vector<16xf32>,
      tpu.vector_store %arg12[%swap3A], %div3A {strides = array<i32>} : memref<512xf32, #tpu.memory_space<vmem>>, vector<16xf32>,
    }
    %scan3A_13 = arith.constant 32 : i32
    %dma_wait3A = tpu.memref_slice %arg5[%mul3A_2] : memref<320000xf32, #tpu.memory_space<hbm>> -> memref<10000xf32, #tpu.memory_space<hbm>>
    %dma_wait3A_14 = tpu.memref_slice %arg5[%mul3A_2] : memref<320000xf32, #tpu.memory_space<hbm>> -> memref<10000xf32, #tpu.memory_space<hbm>>
    tpu.wait_dma2 semaphore(%arg18 : memref<!tpu.dma_semaphore, #tpu.memory_space<semaphore_mem>>) src(%dma_wait3A_14 : memref<10000xf32, #tpu.memory_space<hbm>>) dst(%arg13 : memref<10000xf32, #tpu.memory_space<vmem>>)
    %dma_wait3A_15 = tpu.memref_slice %arg6[%mul3A_2] : memref<320000xf32, #tpu.memory_space<hbm>> -> memref<10000xf32, #tpu.memory_space<hbm>>
    %dma_wait3A_16 = tpu.memref_slice %arg6[%mul3A_2] : memref<320000xf32, #tpu.memory_space<hbm>> -> memref<10000xf32, #tpu.memory_space<hbm>>
    tpu.wait_dma2 semaphore(%arg18 : memref<!tpu.dma_semaphore, #tpu.memory_space<semaphore_mem>>) src(%dma_wait3A_16 : memref<10000xf32, #tpu.memory_space<hbm>>) dst(%arg14 : memref<10000xf32, #tpu.memory_space<vmem>>)
    %dma_wait3A_17 = tpu.memref_slice %arg7[%mul3A_2] : memref<320000xi32, #tpu.memory_space<hbm>> -> memref<10000xi32, #tpu.memory_space<hbm>>
    %dma_wait3A_18 = tpu.memref_slice %arg7[%mul3A_2] : memref<320000xi32, #tpu.memory_space<hbm>> -> memref<10000xi32, #tpu.memory_space<hbm>>
    tpu.wait_dma2 semaphore(%arg18 : memref<!tpu.dma_semaphore, #tpu.memory_space<semaphore_mem>>) src(%dma_wait3A_18 : memref<10000xi32, #tpu.memory_space<hbm>>) dst(%arg15 : memref<10000xi32, #tpu.memory_space<vmem>>)
    %scan3A_19 = arith.constant 0 : i32
    %scan3A_20 = arith.constant 0 : i32
    %scan3A_21 = arith.constant 125 : i32
    %scan3A_22 = arith.addi %scan3A_20, %scan3A_21 : i32
    %scan3A_23 = arith.constant 1 : i32
    scf.for %scan3A_25 = %scan3A_20 to %scan3A_22 step %scan3A_23  : i32 {
      %mul3A_26 = arith.constant 5 : i32
      %mul3A_27 = arith.muli %scan3A_25, %mul3A_26 : i32
      %add3A_28 = arith.constant 0 : i32
      %add3A_29 = arith.addi %mul3A_27, %add3A_28 : i32
      %mul3A_30 = arith.constant 16 : i32
      %mul3A_31 = arith.muli %add3A_29, %mul3A_30 : i32
      %get3A = arith.index_cast %mul3A_31 : i32 to index
      %get3A_32 = tpu.vector_load %arg15[%get3A] {strides = array<i32>} : memref<10000xi32, #tpu.memory_space<vmem>>, vector<16xi32>,
      %gather3A = tpu.vector_load_idx %arg12[%get3A_32] : memref<512xf32, #tpu.memory_space<vmem>>[vector<16xi32>], vector<16xf32>,
      %get3A_33 = arith.index_cast %mul3A_31 : i32 to index
      %get3A_34 = tpu.vector_load %arg14[%get3A_33] {strides = array<i32>} : memref<10000xf32, #tpu.memory_space<vmem>>, vector<16xf32>,
      %get3A_35 = arith.index_cast %mul3A_31 : i32 to index
      %get3A_36 = tpu.vector_load %arg13[%get3A_35] {strides = array<i32>} : memref<10000xf32, #tpu.memory_space<vmem>>, vector<16xf32>,
      %mul3A_37 = arith.mulf %get3A_36, %gather3A : vector<16xf32>
      %sub3A = arith.subf %get3A_34, %mul3A_37 : vector<16xf32>
      %swap3A = arith.index_cast %mul3A_31 : i32 to index
      %swap3A_38 = tpu.vector_load %arg16[%swap3A] {strides = array<i32>} : memref<10000xf32, #tpu.memory_space<vmem>>, vector<16xf32>,
      tpu.vector_store %arg16[%swap3A], %sub3A {strides = array<i32>} : memref<10000xf32, #tpu.memory_space<vmem>>, vector<16xf32>,
      %mul3A_39 = arith.constant 5 : i32
      %mul3A_40 = arith.muli %scan3A_25, %mul3A_39 : i32
      %add3A_41 = arith.constant 1 : i32
      %add3A_42 = arith.addi %mul3A_40, %add3A_41 : i32
      %mul3A_43 = arith.constant 16 : i32
      %mul3A_44 = arith.muli %add3A_42, %mul3A_43 : i32
      %get3A_45 = arith.index_cast %mul3A_44 : i32 to index
      %get3A_46 = tpu.vector_load %arg15[%get3A_45] {strides = array<i32>} : memref<10000xi32, #tpu.memory_space<vmem>>, vector<16xi32>,
      %gather3A_47 = tpu.vector_load_idx %arg12[%get3A_46] : memref<512xf32, #tpu.memory_space<vmem>>[vector<16xi32>], vector<16xf32>,
      %get3A_48 = arith.index_cast %mul3A_44 : i32 to index
      %get3A_49 = tpu.vector_load %arg14[%get3A_48] {strides = array<i32>} : memref<10000xf32, #tpu.memory_space<vmem>>, vector<16xf32>,
      %get3A_50 = arith.index_cast %mul3A_44 : i32 to index
      %get3A_51 = tpu.vector_load %arg13[%get3A_50] {strides = array<i32>} : memref<10000xf32, #tpu.memory_space<vmem>>, vector<16xf32>,
      %mul3A_52 = arith.mulf %get3A_51, %gather3A_47 : vector<16xf32>
      %sub3A_53 = arith.subf %get3A_49, %mul3A_52 : vector<16xf32>
      %swap3A_54 = arith.index_cast %mul3A_44 : i32 to index
      %swap3A_55 = tpu.vector_load %arg16[%swap3A_54] {strides = array<i32>} : memref<10000xf32, #tpu.memory_space<vmem>>, vector<16xf32>,
      tpu.vector_store %arg16[%swap3A_54], %sub3A_53 {strides = array<i32>} : memref<10000xf32, #tpu.memory_space<vmem>>, vector<16xf32>,
      %mul3A_56 = arith.constant 5 : i32
      %mul3A_57 = arith.muli %scan3A_25, %mul3A_56 : i32
      %add3A_58 = arith.constant 2 : i32
      %add3A_59 = arith.addi %mul3A_57, %add3A_58 : i32
      %mul3A_60 = arith.constant 16 : i32
      %mul3A_61 = arith.muli %add3A_59, %mul3A_60 : i32
      %get3A_62 = arith.index_cast %mul3A_61 : i32 to index
      %get3A_63 = tpu.vector_load %arg15[%get3A_62] {strides = array<i32>} : memref<10000xi32, #tpu.memory_space<vmem>>, vector<16xi32>,
      %gather3A_64 = tpu.vector_load_idx %arg12[%get3A_63] : memref<512xf32, #tpu.memory_space<vmem>>[vector<16xi32>], vector<16xf32>,
      %get3A_65 = arith.index_cast %mul3A_61 : i32 to index
      %get3A_66 = tpu.vector_load %arg14[%get3A_65] {strides = array<i32>} : memref<10000xf32, #tpu.memory_space<vmem>>, vector<16xf32>,
      %get3A_67 = arith.index_cast %mul3A_61 : i32 to index
      %get3A_68 = tpu.vector_load %arg13[%get3A_67] {strides = array<i32>} : memref<10000xf32, #tpu.memory_space<vmem>>, vector<16xf32>,
      %mul3A_69 = arith.mulf %get3A_68, %gather3A_64 : vector<16xf32>
      %sub3A_70 = arith.subf %get3A_66, %mul3A_69 : vector<16xf32>
      %swap3A_71 = arith.index_cast %mul3A_61 : i32 to index
      %swap3A_72 = tpu.vector_load %arg16[%swap3A_71] {strides = array<i32>} : memref<10000xf32, #tpu.memory_space<vmem>>, vector<16xf32>,
      tpu.vector_store %arg16[%swap3A_71], %sub3A_70 {strides = array<i32>} : memref<10000xf32, #tpu.memory_space<vmem>>, vector<16xf32>,
      %mul3A_73 = arith.constant 5 : i32
      %mul3A_74 = arith.muli %scan3A_25, %mul3A_73 : i32
      %add3A_75 = arith.constant 3 : i32
      %add3A_76 = arith.addi %mul3A_74, %add3A_75 : i32
      %mul3A_77 = arith.constant 16 : i32
      %mul3A_78 = arith.muli %add3A_76, %mul3A_77 : i32
      %get3A_79 = arith.index_cast %mul3A_78 : i32 to index
      %get3A_80 = tpu.vector_load %arg15[%get3A_79] {strides = array<i32>} : memref<10000xi32, #tpu.memory_space<vmem>>, vector<16xi32>,
      %gather3A_81 = tpu.vector_load_idx %arg12[%get3A_80] : memref<512xf32, #tpu.memory_space<vmem>>[vector<16xi32>], vector<16xf32>,
      %get3A_82 = arith.index_cast %mul3A_78 : i32 to index
      %get3A_83 = tpu.vector_load %arg14[%get3A_82] {strides = array<i32>} : memref<10000xf32, #tpu.memory_space<vmem>>, vector<16xf32>,
      %get3A_84 = arith.index_cast %mul3A_78 : i32 to index
      %get3A_85 = tpu.vector_load %arg13[%get3A_84] {strides = array<i32>} : memref<10000xf32, #tpu.memory_space<vmem>>, vector<16xf32>,
      %mul3A_86 = arith.mulf %get3A_85, %gather3A_81 : vector<16xf32>
      %sub3A_87 = arith.subf %get3A_83, %mul3A_86 : vector<16xf32>
      %swap3A_88 = arith.index_cast %mul3A_78 : i32 to index
      %swap3A_89 = tpu.vector_load %arg16[%swap3A_88] {strides = array<i32>} : memref<10000xf32, #tpu.memory_space<vmem>>, vector<16xf32>,
      tpu.vector_store %arg16[%swap3A_88], %sub3A_87 {strides = array<i32>} : memref<10000xf32, #tpu.memory_space<vmem>>, vector<16xf32>,
      %mul3A_90 = arith.constant 5 : i32
      %mul3A_91 = arith.muli %scan3A_25, %mul3A_90 : i32
      %add3A_92 = arith.constant 4 : i32
      %add3A_93 = arith.addi %mul3A_91, %add3A_92 : i32
      %mul3A_94 = arith.constant 16 : i32
      %mul3A_95 = arith.muli %add3A_93, %mul3A_94 : i32
      %get3A_96 = arith.index_cast %mul3A_95 : i32 to index
      %get3A_97 = tpu.vector_load %arg15[%get3A_96] {strides = array<i32>} : memref<10000xi32, #tpu.memory_space<vmem>>, vector<16xi32>,
      %gather3A_98 = tpu.vector_load_idx %arg12[%get3A_97] : memref<512xf32, #tpu.memory_space<vmem>>[vector<16xi32>], vector<16xf32>,
      %get3A_99 = arith.index_cast %mul3A_95 : i32 to index
      %get3A_100 = tpu.vector_load %arg14[%get3A_99] {strides = array<i32>} : memref<10000xf32, #tpu.memory_space<vmem>>, vector<16xf32>,
      %get3A_101 = arith.index_cast %mul3A_95 : i32 to index
      %get3A_102 = tpu.vector_load %arg13[%get3A_101] {strides = array<i32>} : memref<10000xf32, #tpu.memory_space<vmem>>, vector<16xf32>,
      %mul3A_103 = arith.mulf %get3A_102, %gather3A_98 : vector<16xf32>
      %sub3A_104 = arith.subf %get3A_100, %mul3A_103 : vector<16xf32>
      %swap3A_105 = arith.index_cast %mul3A_95 : i32 to index
      %swap3A_106 = tpu.vector_load %arg16[%swap3A_105] {strides = array<i32>} : memref<10000xf32, #tpu.memory_space<vmem>>, vector<16xf32>,
      tpu.vector_store %arg16[%swap3A_105], %sub3A_104 {strides = array<i32>} : memref<10000xf32, #tpu.memory_space<vmem>>, vector<16xf32>,
    }
    %scan3A_24 = arith.constant 125 : i32
    "tpu.region"() ({
      %run_scoped3A = tpu.sem_alloc : memref<!tpu.dma_semaphore, #tpu.memory_space<semaphore_mem>>
      %dma_start3A_25 = tpu.memref_slice %arg8[%mul3A_2] : memref<320000xf32, #tpu.memory_space<hbm>> -> memref<10000xf32, #tpu.memory_space<hbm>>
      %dma_start3A_26 = tpu.memref_slice %arg8[%mul3A_2] : memref<320000xf32, #tpu.memory_space<hbm>> -> memref<10000xf32, #tpu.memory_space<hbm>>
      tpu.enqueue_dma source(%arg16 : memref<10000xf32, #tpu.memory_space<vmem>>) target(%dma_start3A_26 : memref<10000xf32, #tpu.memory_space<hbm>>) target_semaphore(%run_scoped3A : memref<!tpu.dma_semaphore, #tpu.memory_space<semaphore_mem>>)
      %dma_wait3A_27 = tpu.memref_slice %arg8[%mul3A_2] : memref<320000xf32, #tpu.memory_space<hbm>> -> memref<10000xf32, #tpu.memory_space<hbm>>
      %dma_wait3A_28 = tpu.memref_slice %arg8[%mul3A_2] : memref<320000xf32, #tpu.memory_space<hbm>> -> memref<10000xf32, #tpu.memory_space<hbm>>
      tpu.wait_dma2 semaphore(%run_scoped3A : memref<!tpu.dma_semaphore, #tpu.memory_space<semaphore_mem>>) src(%arg16 : memref<10000xf32, #tpu.memory_space<vmem>>) dst(%dma_wait3A_28 : memref<10000xf32, #tpu.memory_space<hbm>>)
      tpu.yield
    }) : () -> ()
    return
  }
}

module attributes {stable_mosaic.version = 14 : i64} {
  func.func @_wi_body(%arg0: i32, %arg1: memref<1x128xf32, #tpu.memory_space<vmem>>, %arg2: memref<1x1xf32, #tpu.memory_space<vmem>>, %arg3: memref<32000x128xf32, #tpu.memory_space<vmem>>, %arg4: memref<320000xf32, #tpu.memory_space<any>>, %arg5: memref<32000xf32, #tpu.memory_space<vmem>>, %arg6: memref<!tpu.dma_semaphore, #tpu.memory_space<semaphore_mem>>) attributes {dimension_semantics = [#tpu.dimension_semantics<arbitrary>], iteration_bounds = array<i64: 10>, scalar_prefetch = 0 : i64, scratch_operands = 2 : i64, tpu.core_type = #tpu.core_type<tc>, window_params = [{pipeline_mode = #tpu.pipeline_mode<synchronous>, transform_indices = @transform_0, window_bounds = array<i64: 1, 128>}, {pipeline_mode = #tpu.pipeline_mode<synchronous>, transform_indices = @transform_1, window_bounds = array<i64: 1, 1>}, {transform_indices = @transform_2, window_bounds = array<i64: 32000, 128>}, {}]} {
    %get3A = arith.constant 0 : index
    %get3A_0 = arith.constant 0 : index
    %get3A_1 = vector.load %arg1[%get3A, %get3A_0] : memref<1x128xf32, #tpu.memory_space<vmem>>, vector<1x128xf32>
    %get3A_2 = arith.constant 0 : index
    %get3A_3 = arith.constant 0 : index
    %get3A_4 = vector.load %arg3[%get3A_2, %get3A_3] : memref<32000x128xf32, #tpu.memory_space<vmem>>, vector<32000x128xf32>
    %dot_general3A = arith.constant dense<0.000000e+00> : vector<1x32000xf32>
    %dot_general3A_5 = tpu.matmul %get3A_1, %get3A_4, %dot_general3A {dimension_numbers = #tpu.dot_dimension_numbers<[1], [1], [0], [0], [0, 0, 1, 0], [], []>, transpose_lhs_hint = false} : vector<1x128xf32>, vector<32000x128xf32>, vector<1x32000xf32> -> vector<1x32000xf32>
    %get3A_6 = arith.constant 0 : index
    %get3A_7 = arith.constant 0 : index
    %get3A_8 = vector.load %arg2[%get3A_6, %get3A_7] : memref<1x1xf32, #tpu.memory_space<vmem>>, vector<1x1xf32>
    %get3A_9 = vector.extract %get3A_8[0, 0] : f32 from vector<1x1xf32>
    %add3A = vector.broadcast %get3A_9 : f32 to vector<1x32000xf32>
    %add3A_10 = arith.addf %dot_general3A_5, %add3A : vector<1x32000xf32>
    %max3A = arith.constant 0.000000e+00 : f32
    %max3A_11 = vector.broadcast %max3A : f32 to vector<1x32000xf32>
    %max3A_12 = arith.maximumf %add3A_10, %max3A_11 : vector<1x32000xf32>
    %abs3A = math.absf %add3A_10 : vector<1x32000xf32>
    %neg3A = arith.constant 0.000000e+00 : f32
    %neg3A_13 = vector.broadcast %neg3A : f32 to vector<1x32000xf32>
    %neg3A_14 = arith.subf %neg3A_13, %abs3A : vector<1x32000xf32>
    %exp3A = math.exp %neg3A_14 : vector<1x32000xf32>
    %log1p3A = math.log1p %exp3A : vector<1x32000xf32>
    %add3A_15 = arith.addf %max3A_12, %log1p3A : vector<1x32000xf32>
    %reshape3A = vector.shape_cast %add3A_15 : vector<1x32000xf32> to vector<32000xf32>
    %swap3A = arith.constant 0 : index
    %swap3A_16 = vector.load %arg5[%swap3A] : memref<32000xf32, #tpu.memory_space<vmem>>, vector<32000xf32>
    tpu.vector_store %arg5[%swap3A], %reshape3A {strides = array<i32>} : memref<32000xf32, #tpu.memory_space<vmem>>, vector<32000xf32>,
    %mul3A = arith.constant 32000 : i32
    %mul3A_17 = arith.muli %arg0, %mul3A : i32
    %dma_start3A = tpu.memref_slice %arg4[%mul3A_17] : memref<320000xf32, #tpu.memory_space<any>> -> memref<32000xf32, #tpu.memory_space<any>>
    tpu.enqueue_dma source(%arg5 : memref<32000xf32, #tpu.memory_space<vmem>>) target(%dma_start3A : memref<32000xf32, #tpu.memory_space<any>>) target_semaphore(%arg6 : memref<!tpu.dma_semaphore, #tpu.memory_space<semaphore_mem>>)
    %dma_wait3A = tpu.memref_slice %arg4[%mul3A_17] : memref<320000xf32, #tpu.memory_space<any>> -> memref<32000xf32, #tpu.memory_space<any>>
    tpu.wait_dma2 semaphore(%arg6 : memref<!tpu.dma_semaphore, #tpu.memory_space<semaphore_mem>>) src(%arg5 : memref<32000xf32, #tpu.memory_space<vmem>>) dst(%dma_wait3A : memref<32000xf32, #tpu.memory_space<any>>)
    return
  }
  func.func @transform_0(%arg0: i32) -> (i32, i32) {
    %c0_i32 = arith.constant 0 : i32
    %c0_i32_0 = arith.constant 0 : i32
    %c0_i32_1 = arith.constant 0 : i32
    return %c0_i32, %c0_i32_0 : i32, i32
  }
  func.func @transform_1(%arg0: i32) -> (i32, i32) {
    %c0_i32 = arith.constant 0 : i32
    %c0_i32_0 = arith.constant 0 : i32
    %c0_i32_1 = arith.constant 0 : i32
    return %c0_i32, %c0_i32_0 : i32, i32
  }
  func.func @transform_2(%arg0: i32) -> (i32, i32) {
    %c0_i32 = arith.constant 0 : i32
    %c0_i32_0 = arith.constant 0 : i32
    return %arg0, %c0_i32 : i32, i32
  }
}

</mosaic_0001>

<sc_bundles>
// kernel: kernel.5.cloned.1.call-start
scs
__scs_entry_jumppad:
0x0: {  	(pc) =	sbr.rel $0x88, $3  }
0x1: {  	(tag) =	ssettag $0x0;
	lr =	simm.s32 $0x1  }
0x2: {  	[smem:$0x3F9B] =	sst lr;
	_ =	strace $0xD0000000  }
0x3: {  	_ = 	snop  }
0x4: {  	_ = 	snop  }
0x5: {  	_ = 	snop  }
0x6: {  	_ = 	snop  }
0x7: {  	_ = 	snop  }
__scs_overlays_trampoline_lowered:
0x8: {  	[smem:$0x3FAA] =	sst s0  }
0x9: {  	[smem:$0x3FAB] =	sst s1  }
0xa: {  	[smem:$0x3FAC] =	sst s2  }
0xb: {  	[smem:$0x3FAD] =	sst s3  }
0xc: {  	[smem:$0x3FAE] =	sst s4  }
0xd: {  	[smem:$0x3FAF] =	sst s5  }
0xe: {  	[smem:$0x3FB0] =	sst s6  }
0xf: {  	[smem:$0x3FB1] =	sst s7  }
0x10: {  	[smem:$0x3FB2] =	sst s8  }
0x11: {  	[smem:$0x3FB3] =	sst s9;
	s0 =	simm.s32 @!p0 $0x0  }
0x12: {  	s1 =	sld [smem:$0x3F99];
	s0 =	simm.s32 @p0 $0x1  }
0x13: {  	[smem:$0x3FB4] =	sst s0;
	s0 =	simm.s32 @!p1 $0x0  }
0x14: {  	s2 =	sld [smem:$0x3F98];
	s0 =	simm.s32 @p1 $0x1  }
0x15: {  	[smem:$0x3FB5] =	sst s0;
	s0 =	simm.s32 @!p2 $0x0  }
0x16: {  	s3 =	sld [smem:$0x3FDB];
	s0 =	simm.s32 @p2 $0x1  }
0x17: {  	s4 =	simm.s32 $0x1BF5;
	[smem:$0x3FB7] =	sst s0  }
0x18: {  	s0 =	sld [smem:$0x3F9A];
	_ =	swait.ge [sflag:s4], $0x0  }
0x19: {  	s7 =	sld [smem:$0x3F9B]  }
0x1a: {  	s8 =	sadd.s32 $0xFFFFE003, lr  }
0x1b: {  	s9 =	sadd.s32 $0xFFFFFEF7, lr;
	s5 =	simm.s32 $0xFFFFFFFF;
	p2 =	slt.u32 s8, $0xFFFFF086  }
0x1c: {  	p1 =	slt.u32 s9, $0xF7A;
	s5 =	simm.s32 @!p2 $0x0  }
0x1d: {  	s5 =	simm.s32 @p1 $0x1;
	p0 =	seq.s32 s7, s2  }
0x1e: {  	s7 =	smul.u32 @!p0 $0xF7A, s2;
	p2 =	seq.s32 @!p0 s5, $0x0  }
0x1f: {  	s9 =	smul.u32 $0xF7A, s1;
	s8 =	simm.s32 @!p0 $0x1BF5;
	p2 =	por !p2, p0  }
0x20: {  	[sflag:s8] =	ssyncset.s32 @!p0 $0xFFFFF086;
	s6 =	sadd.s32 @!p0 s3, s7;
	s7 =	simm.s32 @!p0 $0x108  }
0x21: {  	s3 =	sadd.s32 s3, s9;
	s6 =	sadd.s32 @!p0 $0x88, s6;
	s7 =	simm.s32 @p2 $0x1082  }
0x22: {  	[simem:s7], [sflag:s8] =	dma.local @!p0 [hbm:s6], $0xF7A  }
0x23: {  	s9 =	sor.u32 $0xD0000000, s2;
	s6 =	simm.s32 $0x108;
	_ =	swait.ge @!p0 [sflag:s8], $0x0  }
0x24: {  	s3 =	sadd.s32 $0x88, s3;
	s6 =	simm.s32 @!p1 $0x1082;
	[sflag:s4] =	ssyncset.s32 $0xFFFFF086  }
0x25: {  	[simem:s6], [sflag:s4] =	dma.local [hbm:s3], $0xF7A  }
0x26: {  	[smem:$0x3F9B] =	sst s1;
	(tag) =	ssettag s2;
	_ =	strace s9  }
0x27: {  	s1 =	sld [smem:$0x3FAB]  }
0x28: {  	s2 =	sld [smem:$0x3FAC]  }
0x29: {  	s4 =	sld [smem:$0x3FAE]  }
0x2a: {  	p0 =	seq.s32 s5, $0x0;
	s5 =	sld [smem:$0x3FAF]  }
0x2b: {  	s6 =	sld [smem:$0x3FB0]  }
0x2c: {  	s7 =	sld [smem:$0x3FB1]  }
0x2d: {  	s3 =	simm.s32 $0x108;
	s8 =	sld [smem:$0x3FB2]  }
0x2e: {  	s3 =	simm.s32 @!p0 $0x1082;
	s9 =	sld [smem:$0x3FB3]  }
0x2f: {  	lr =	sadd.s32 s0, s3;
	s0 =	sld [smem:$0x3FAA]  }
0x30: {  	s3 =	sld [smem:$0x3FAD]  }
0x31: {  	[smem:$0x3FB6] =	sst s10  }
0x32: {  	s10 =	sld [smem:$0x3FB4];
	_ =	sdelay $0x3  }
0x33: {  	p0 =	seq.s32 s10, $0x1;
	s10 =	sld [smem:$0x3FB6];
	_ =	sdelay $0x3  }
0x34: {  	[smem:$0x3FB6] =	sst s10  }
0x35: {  	s10 =	sld [smem:$0x3FB5];
	_ =	sdelay $0x3  }
0x36: {  	p1 =	seq.s32 s10, $0x1;
	s10 =	sld [smem:$0x3FB6];
	_ =	sdelay $0x3  }
0x37: {  	[smem:$0x3FB6] =	sst s10  }
0x38: {  	s10 =	sld [smem:$0x3FB7]  }
0x39: {  	_ = 	snop;
	(pc) =	sbr.ind lr, $3  }
0x3a: {  	_ = 	snop  }
0x3b: {  	_ = 	snop  }
0x3c: {  	p2 =	seq.s32 s10, $0x1;
	s10 =	sld [smem:$0x3FB6]  }
0x3d: {  	_ =	shalt  }
0x3e: {  	_ =	shalt  }
0x3f: {  	_ =	shalt  }
0x40: {  	_ =	shalt  }
0x41: {  	_ =	shalt  }
0x42: {  	_ =	shalt  }
0x43: {  	_ =	shalt  }
0x44: {  	_ =	shalt  }
0x45: {  	_ =	shalt  }
0x46: {  	_ =	shalt  }
0x47: {  	_ =	shalt  }
0x48: {  	_ =	shalt  }
0x49: {  	_ =	shalt  }
0x4a: {  	_ =	shalt  }
0x4b: {  	_ =	shalt  }
0x4c: {  	_ =	shalt  }
0x4d: {  	_ =	shalt  }
0x4e: {  	_ =	shalt  }
0x4f: {  	_ =	shalt  }
0x50: {  	_ =	shalt  }
0x51: {  	_ =	shalt  }
0x52: {  	_ =	shalt  }
0x53: {  	_ =	shalt  }
0x54: {  	_ =	shalt  }
0x55: {  	_ =	shalt  }
0x56: {  	_ =	shalt  }
0x57: {  	_ =	shalt  }
0x58: {  	_ =	shalt  }
0x59: {  	_ =	shalt  }
0x5a: {  	_ =	shalt  }
0x5b: {  	_ =	shalt  }
0x5c: {  	_ =	shalt  }
0x5d: {  	_ =	shalt  }
0x5e: {  	_ =	shalt  }
0x5f: {  	_ =	shalt  }
0x60: {  	_ =	shalt  }
0x61: {  	_ =	shalt  }
0x62: {  	_ =	shalt  }
0x63: {  	_ =	shalt  }
0x64: {  	_ =	shalt  }
0x65: {  	_ =	shalt  }
0x66: {  	_ =	shalt  }
0x67: {  	_ =	shalt  }
0x68: {  	_ =	shalt  }
0x69: {  	_ =	shalt  }
0x6a: {  	_ =	shalt  }
0x6b: {  	_ =	shalt  }
0x6c: {  	_ =	shalt  }
0x6d: {  	_ =	shalt  }
0x6e: {  	_ =	shalt  }
0x6f: {  	_ =	shalt  }
0x70: {  	_ =	shalt  }
0x71: {  	_ =	shalt  }
0x72: {  	_ =	shalt  }
0x73: {  	_ =	shalt  }
0x74: {  	_ =	shalt  }
0x75: {  	_ =	shalt  }
0x76: {  	_ =	shalt  }
0x77: {  	_ =	shalt  }
0x78: {  	_ =	shalt  }
0x79: {  	_ =	shalt  }
0x7a: {  	_ =	shalt  }
0x7b: {  	_ =	shalt  }
0x7c: {  	_ =	shalt  }
0x7d: {  	_ =	shalt  }
0x7e: {  	_ =	shalt  }
0x7f: {  	_ =	shalt  }
0x80: {  	_ =	shalt  }
0x81: {  	_ =	shalt  }
0x82: {  	_ =	shalt  }
0x83: {  	_ =	shalt  }
0x84: {  	_ =	shalt  }
0x85: {  	_ =	shalt  }
0x86: {  	_ =	shalt  }
0x87: {  	_ =	shalt  }
.Lfunc_end0:
.L_simem_size_0:
called_computation_lowered:
.L_overlay_start_0:
0x88: {  	s2 =	sld [smem:$0x3FD9]  }
0x89: {  	s3 =	sld [smem:$0x3FFE];
	_ =	sdelay $0x1  }
0x8a: {  	s1 =	srdreg.scid  }
0x8b: {  	s0 =	sand.u32 $0x1, s1  }
0x8c: {  	s17 =	sshll.u32 s0, $0xA;
	s2 =	sadd.s32 s3, s2  }
0x8d: {  	s2 =	sadd.s32 s2, s17  }
0x8e: {  	[smem:$0x3FC2] =	sst s2  }
0x8f: {  	_ = 	snop  }
0x90: {  	s2 =	sld [smem:$0x3FC9]  }
0x91: {  	s18 =	sld [smem:$0x3FC7]  }
0x92: {  	s4 =	sld [smem:$0x3FD0];
	(tm) =	ssettm $0x1  }
0x93: {  	s5 =	sld [smem:$0x3FFB];
	_ =	sdelay $0x3  }
0x94: {  	_ =	strace s5  }
0x95: {  	s5 =	sld [smem:$0x3FFC];
	_ =	sdelay $0x3  }
0x96: {  	_ =	strace s5  }
0x97: {  	s5 =	sld [smem:$0x3FFD];
	_ =	sdelay $0x3  }
0x98: {  	_ =	strace s5  }
0x99: {  	_ =	strace $0x8FFFFFFF  }
0x9a: {  	s19 =	sld [smem:$0x3FDB];
	_ =	sdelay $0x1  }
0x9b: {  	s6 =	simm.s32 $_scs_section_size  }
0x9c: {  	s7 =	simm.s32 $_size__tile_overlayer_lowered;
	s8 =	simm.s32 $_tile_overlayer_lowered  }
0x9d: {  	s22 =	simm.s32 $0x1BFF;
	s21 =	sshll.u32 s8, $0x1;
	s5 =	sadd.s32 s6, s19  }
0x9e: {  	s9 =	simm.s32 $0x0;
	s20 =	sshll.u32 s7, $0x1;
	s7 =	sadd.s32 s21, s5  }
0x9f: {  	[timem:s9], [sflag:s22] =	dma.local [hbm:s7], s20  }
0xa0: {  	_ =	swait.ge [sflag:s22], s20  }
0xa1: {  	s6 =	ssub.s32 $0x0, s20;
	[sflag:s22] =	ssyncset.done $0x0  }
0xa2: {  	[sflag:s22] =	ssyncadd.s32 s6;
	_ =	sdelay $0x1  }
0xa3: {  	s23 =	simm.s32 $0x1B8B  }
0xa4: {  	_ =	swait.ge [sflag:s23], $0x1  }
0xa5: {  	[sflag:s23] =	ssyncset.done $0x0  }
0xa6: {  	s25 =	simm.s32 $0x1B8E;
	s24 =	sld [smem:$0x3FFE];
	[sflag:s23] =	ssyncadd.s32 $0xFFFFFFFF  }
0xa7: {  	s26 =	simm.s32 $execute0_lowered;
	[smem:$0x3FD2] =	sst s25  }
0xa8: {  	s7 =	sshll.u32 s26, $0x1;
	_ =	strace $0x80000046;
	[dreg:$0x1] =	wrdreg $0xFFFFFFFF  }
0xa9: {  	s28 =	simm.s32 $_size_execute0_lowered;
	s5 =	sadd.s32 s5, s7;
	[dreg:$0x0] =	wrdreg $0x0  }
0xaa: {  	s7 =	sshll.u32 s28, $0x1;
	[dreg:$0x2] =	wrdreg s5  }
0xab: {  	[dreg:$0x3] =	wrdreg s7  }
0xac: {  	[dreg:$0x4] =	wrdreg $0xC0  }
0xad: {  	_ =	task [dreg:s9], $0x5FFFF  }
0xae: {  	[dreg:$0x1] =	wrdreg $0xFFFFFFFF  }
0xaf: {  	[dreg:$0x0] =	wrdreg $0x60  }
0xb0: {  	[dreg:$0x2] =	wrdreg s2  }
0xb1: {  	[dreg:$0x3] =	wrdreg s18  }
0xb2: {  	[dreg:$0x4] =	wrdreg s24  }
0xb3: {  	[dreg:$0x5] =	wrdreg s4  }
0xb4: {  	[dreg:$0x6] =	wrdreg $0x9  }
0xb5: {  	_ =	task.clear_ibuf [dreg:s9], $0x7FFFF;
	_ =	strace $0x90000046  }
0xb6: {  	s29 =	simm.s32 $0x9;
	_ =	strace $0x80000048  }
0xb7: {  	_ =	swait.ge [sflag:s29], $0x1  }
0xb8: {  	[sflag:s29] =	ssyncadd.s32 $0xFFFFFFFF  }
0xb9: {  	_ =	strace $0x90000048  }
0xba: {  	_ =	sfence  }
0xbb: {  	s30 =	sld [smem:$0x0];
	_ =	sdelay $0x2  }
0xbc: {  	s31 =	sshll.u32 s1, $0xD;
	s1 =	sshrl.u32 s1, $0x2  }
0xbd: {  	s3 =	sand.u32 $0x4000, s31;
	s1 =	sadd.s32 s1, s30  }
0xbe: {  	s0 =	sor.u32 s3, s0;
	s1 =	sshll.u32 s1, $0x11  }
0xbf: {  	s0 =	sor.u32 s1, s0  }
0xc0: {  	s0 =	sadd.s32 $0x8F2B, s0  }
0xc1: {  	[sflag:s0] =	ssyncadd.remote.s32 $0x1  }
0xc2: {  	_ =	sfence.sel $0xFFFF  }
0xc3: {  	[dreg:$0x0] =	wrdreg $0xFFFFFFFF;
	(pc) =	sbr.abs _section_cstart, $3  }
0xc4: {  	[dreg:$0x1] =	wrdreg $0xFFFFFFFF  }
0xc5: {  	_ =	task.clear_ibuf [dreg:s9], $0x2FFFF;
	_ =	strace $0x9FFFFFFF  }
0xc6: {  	(tm) =	ssettm $0x7FFFFFFF  }
0xc7: {  	_ =	shalt  }
tec
execute0_lowered:
.L_overlay_start_1:
0x0: {  	(tag) =	ssettag $0x1  }
0x1: {  	s4 =	rddreg [dreg:$0x0]  }
0x2: {  	s5 =	rddreg [dreg:$0x1]  }
0x3: {  	s6 =	rddreg [dreg:$0x2];
	s1 =	srdreg.scid  }
0x4: {  	s0 =	stileid.u32;
	s2 =	rddreg [dreg:$0x3]  }
0x5: {  	s3 =	simm.s32 $0x0;
	s13 =	simm.s32 $0x4F00;
	s14 =	simm.s32 $0x1  }
0x6: {  	s15 =	simm.s32 $0x7680;
	s16 =	simm.s32 $0x9E80;
	s17 =	simm.s32 $0xA080  }
0x7: {  	s18 =	simm.s32 $0x2;
	s7 =	sand.u32 $0x1, s1;
	s8 =	sshll.u32 s0, $0x1  }
0x8: {  	s19 =	simm.s32 $0x0;
	s1 =	rddreg [dreg:$0x4];
	s8 =	sor.u32 s7, s8  }
0x9: {  	[smem:$0x7FF] =	sst s3;
	s7 =	ssub.s32 $0x2, s7;
	s9 =	smul.u32 $0x4E2, s8  }
0xa: {  	v0 =	vlaneseq.u32;
	_ =	strace $0x80000047;
	s8 =	sshll.u32 s8, $0x6;
	s11 =	sshrl.u32 s7, $0x1  }
0xb: {  	v0 =	vmul.u32 $0x271, v0;
	s12 =	sadd.s32 s8, s6;
	s11 =	ssub.s32 s7, s11;
	s10 =	sadd.s32 s9, s6  }
0xc: {  	s4 =	sadd.s32 s4, s9;
	s5 =	sadd.s32 s5, s9;
	s8 =	sadd.s32 $0x14E00, s12  }
0xd: {  	v1 =	vimm.f32 $0.0e+00;
	v2 =	vadd.s32 $0x1, v0;
	s9 =	sadd.s32 $0x15600, s12;
	s12 =	simm.s32 $0x2780;
	s6 =	sadd.s32 $0x1200, s10  }
0xe: {  	v3 =	vadd.s32 $0x2, v0;
	v4 =	vadd.s32 $0x3, v0;
	v5 =	vadd.s32 $0x4, v0;
	s7 =	sadd.s32 $0xB000, s10;
	s10 =	smax.u32 s11, $0x1;
	s11 =	simm.s32 $0x9E00  }
.LBB2_1:
0xf: {  	[tilespmem:s11], [sflag:$0x1] =	stream.linear.gather [hbm4b:s2+s3], $0x80, $0x38;
	[tilespmem:$0xA280] =	vst v63  }
0x10: {  	_ = 	snop  }
0x11: {  	[tilespmem:s3], [sflag:$0x1] =	stream.linear.gather [hbm4b:s4+s3], $0x2710, $0x38;
	[tilespmem:$0xA280] =	vst v63  }
0x12: {  	_ = 	snop  }
0x13: {  	[tilespmem:s12], [sflag:$0x1] =	stream.linear.gather [hbm4b:s5+s3], $0x2710, $0x38;
	[tilespmem:$0xA280] =	vst v63  }
0x14: {  	_ = 	snop  }
0x15: {  	[tilespmem:s13], [sflag:$0x1] =	stream.linear.gather [hbm4b:s6+s3], $0x2710, $0x38;
	[tilespmem:$0xA280] =	vst v63  }
0x16: {  	[tilespmem:$0x9E80] =	vst v1  }
0x17: {  	[tilespmem:$0xA080] =	vst v1  }
0x18: {  	[tilespmem:$0x9E90] =	vst v1  }
0x19: {  	[tilespmem:$0xA090] =	vst v1  }
0x1a: {  	[tilespmem:$0x9EA0] =	vst v1  }
0x1b: {  	[tilespmem:$0xA0A0] =	vst v1  }
0x1c: {  	[tilespmem:$0x9EB0] =	vst v1  }
0x1d: {  	[tilespmem:$0xA0B0] =	vst v1  }
0x1e: {  	[tilespmem:$0x9EC0] =	vst v1  }
0x1f: {  	[tilespmem:$0xA0C0] =	vst v1  }
0x20: {  	[tilespmem:$0x9ED0] =	vst v1  }
0x21: {  	[tilespmem:$0xA0D0] =	vst v1  }
0x22: {  	[tilespmem:$0x9EE0] =	vst v1  }
0x23: {  	[tilespmem:$0xA0E0] =	vst v1  }
0x24: {  	[tilespmem:$0x9EF0] =	vst v1  }
0x25: {  	[tilespmem:$0xA0F0] =	vst v1  }
0x26: {  	[tilespmem:$0x9F00] =	vst v1  }
0x27: {  	[tilespmem:$0xA100] =	vst v1  }
0x28: {  	[tilespmem:$0x9F10] =	vst v1  }
0x29: {  	[tilespmem:$0xA110] =	vst v1  }
0x2a: {  	[tilespmem:$0x9F20] =	vst v1  }
0x2b: {  	[tilespmem:$0xA120] =	vst v1  }
0x2c: {  	[tilespmem:$0x9F30] =	vst v1  }
0x2d: {  	[tilespmem:$0xA130] =	vst v1  }
0x2e: {  	[tilespmem:$0x9F40] =	vst v1  }
0x2f: {  	[tilespmem:$0xA140] =	vst v1  }
0x30: {  	[tilespmem:$0x9F50] =	vst v1  }
0x31: {  	[tilespmem:$0xA150] =	vst v1  }
0x32: {  	[tilespmem:$0x9F60] =	vst v1  }
0x33: {  	[tilespmem:$0xA160] =	vst v1  }
0x34: {  	[tilespmem:$0x9F70] =	vst v1  }
0x35: {  	[tilespmem:$0xA170] =	vst v1  }
0x36: {  	[tilespmem:$0x9F80] =	vst v1  }
0x37: {  	[tilespmem:$0xA180] =	vst v1  }
0x38: {  	[tilespmem:$0x9F90] =	vst v1  }
0x39: {  	[tilespmem:$0xA190] =	vst v1  }
0x3a: {  	[tilespmem:$0x9FA0] =	vst v1  }
0x3b: {  	[tilespmem:$0xA1A0] =	vst v1  }
0x3c: {  	[tilespmem:$0x9FB0] =	vst v1  }
0x3d: {  	[tilespmem:$0xA1B0] =	vst v1  }
0x3e: {  	[tilespmem:$0x9FC0] =	vst v1  }
0x3f: {  	[tilespmem:$0xA1C0] =	vst v1  }
0x40: {  	[tilespmem:$0x9FD0] =	vst v1  }
0x41: {  	[tilespmem:$0xA1D0] =	vst v1  }
0x42: {  	[tilespmem:$0x9FE0] =	vst v1  }
0x43: {  	[tilespmem:$0xA1E0] =	vst v1  }
0x44: {  	[tilespmem:$0x9FF0] =	vst v1  }
0x45: {  	[tilespmem:$0xA1F0] =	vst v1  }
0x46: {  	[tilespmem:$0xA000] =	vst v1  }
0x47: {  	[tilespmem:$0xA200] =	vst v1  }
0x48: {  	[tilespmem:$0xA010] =	vst v1  }
0x49: {  	[tilespmem:$0xA210] =	vst v1  }
0x4a: {  	[tilespmem:$0xA020] =	vst v1  }
0x4b: {  	[tilespmem:$0xA220] =	vst v1  }
0x4c: {  	[tilespmem:$0xA030] =	vst v1  }
0x4d: {  	[tilespmem:$0xA230] =	vst v1  }
0x4e: {  	[tilespmem:$0xA040] =	vst v1  }
0x4f: {  	[tilespmem:$0xA240] =	vst v1  }
0x50: {  	[tilespmem:$0xA050] =	vst v1  }
0x51: {  	[tilespmem:$0xA250] =	vst v1  }
0x52: {  	[tilespmem:$0xA060] =	vst v1  }
0x53: {  	[tilespmem:$0xA260] =	vst v1  }
0x54: {  	[tilespmem:$0xA070] =	vst v1  }
0x55: {  	[tilespmem:$0xA270] =	vst v1  }
0x56: {  	_ =	swait.ge [sflag:s14], $0x80  }
0x57: {  	[sflag:s14] =	ssyncset.done $0x0  }
0x58: {  	[sflag:s14] =	ssyncadd.s32 $0xFFFFFF80  }
0x59: {  	_ =	swait.ge [sflag:s14], $0x2710  }
0x5a: {  	[sflag:s14] =	ssyncset.done $0x0  }
0x5b: {  	[sflag:s14] =	ssyncadd.s32 $0xFFFFD8F0  }
0x5c: {  	_ =	swait.ge [sflag:s14], $0x2710  }
0x5d: {  	[sflag:s14] =	ssyncset.done $0x0  }
0x5e: {  	[sflag:s14] =	ssyncadd.s32 $0xFFFFD8F0  }
0x5f: {  	_ =	swait.ge [sflag:s14], $0x2710  }
0x60: {  	[sflag:s14] =	ssyncset.done $0x0  }
0x61: {  	s20 =	simm.s32 $0x0;
	[sflag:s14] =	ssyncadd.s32 $0xFFFFD8F0  }
.LBB2_2:
0x62: {  	v6 =	vadd.s32 s20, v0;
	_ =	sdelay $0x4  }
0x63: {  	v7 =	vld.idx.msk [tilespmem:v6+s3+$0x0], $0xffff;
	_ =	sdelay $0x5  }
0x64: {  	v8 =	vld.idx.msk [tilespmem:v6+s12+$0x0], $0xffff;
	_ =	sdelay $0x1  }
0x65: {  	v7 =	vld.idx.msk [tilespmem:v7+s11+$0x0], $0xffff  }
0x66: {  	v9 =	vld.idx.msk [tilespmem:v6+s13+$0x0], $0xffff;
	_ =	sdelay $0x1  }
0x67: {  	v10 =	vadd.s32 s20, v2;
	_ =	sdelay $0x1  }
0x68: {  	[tilespmem:v6+s15+$0x0] =	vst.idx.msk $0xffff, v7  }
0x69: {  	[tilespmem:v8+s16+$0x0] =	vst.idx.add.f32.msk $0xffff, v9  }
0x6a: {  	[tilespmem:v8+s17+$0x0] =	vst.idx.add.f32.msk $0xffff, v7  }
0x6b: {  	v6 =	vld.idx.msk [tilespmem:v10+s3+$0x0], $0xffff;
	_ =	sdelay $0x5  }
0x6c: {  	v7 =	vld.idx.msk [tilespmem:v10+s12+$0x0], $0xffff;
	_ =	sdelay $0x1  }
0x6d: {  	v6 =	vld.idx.msk [tilespmem:v6+s11+$0x0], $0xffff  }
0x6e: {  	v8 =	vld.idx.msk [tilespmem:v10+s13+$0x0], $0xffff;
	_ =	sdelay $0x1  }
0x6f: {  	v61 =	vadd.s32 s20, v3;
	_ =	sdelay $0x1  }
0x70: {  	[tilespmem:v10+s15+$0x0] =	vst.idx.msk $0xffff, v6  }
0x71: {  	[tilespmem:v7+s16+$0x0] =	vst.idx.add.f32.msk $0xffff, v8  }
0x72: {  	[tilespmem:v7+s17+$0x0] =	vst.idx.add.f32.msk $0xffff, v6  }
0x73: {  	v6 =	vld.idx.msk [tilespmem:v61+s3+$0x0], $0xffff;
	_ =	sdelay $0x5  }
0x74: {  	v7 =	vld.idx.msk [tilespmem:v61+s12+$0x0], $0xffff;
	_ =	sdelay $0x1  }
0x75: {  	v6 =	vld.idx.msk [tilespmem:v6+s11+$0x0], $0xffff  }
0x76: {  	v8 =	vld.idx.msk [tilespmem:v61+s13+$0x0], $0xffff;
	_ =	sdelay $0x1  }
0x77: {  	v62 =	vadd.s32 s20, v4;
	_ =	sdelay $0x1  }
0x78: {  	[tilespmem:v61+s15+$0x0] =	vst.idx.msk $0xffff, v6  }
0x79: {  	[tilespmem:v7+s16+$0x0] =	vst.idx.add.f32.msk $0xffff, v8  }
0x7a: {  	[tilespmem:v7+s17+$0x0] =	vst.idx.add.f32.msk $0xffff, v6  }
0x7b: {  	v6 =	vld.idx.msk [tilespmem:v62+s3+$0x0], $0xffff;
	_ =	sdelay $0x5  }
0x7c: {  	v7 =	vld.idx.msk [tilespmem:v62+s12+$0x0], $0xffff;
	_ =	sdelay $0x1  }
0x7d: {  	v6 =	vld.idx.msk [tilespmem:v6+s11+$0x0], $0xffff  }
0x7e: {  	v8 =	vld.idx.msk [tilespmem:v62+s13+$0x0], $0xffff;
	_ =	sdelay $0x1  }
0x7f: {  	v63 =	vadd.s32 s20, v5;
	_ =	sdelay $0x1  }
0x80: {  	[tilespmem:v62+s15+$0x0] =	vst.idx.msk $0xffff, v6  }
0x81: {  	[tilespmem:v7+s16+$0x0] =	vst.idx.add.f32.msk $0xffff, v8  }
0x82: {  	[tilespmem:v7+s17+$0x0] =	vst.idx.add.f32.msk $0xffff, v6  }
0x83: {  	v6 =	vld.idx.msk [tilespmem:v63+s3+$0x0], $0xffff;
	_ =	sdelay $0x5  }
0x84: {  	v7 =	vld.idx.msk [tilespmem:v63+s12+$0x0], $0xffff;
	_ =	sdelay $0x1  }
0x85: {  	v6 =	vld.idx.msk [tilespmem:v6+s11+$0x0], $0xffff  }
0x86: {  	v8 =	vld.idx.msk [tilespmem:v63+s13+$0x0], $0xffff  }
0x87: {  	p0 =	sne.s32 s20, $0x26C  }
.Ltmp0:
0x88: {  	_ = 	snop;
	(pc) =	sbr.rel @p0 .LBB2_2-.Ltmp0, $4  }
0x89: {  	_ = 	snop  }
0x8a: {  	[tilespmem:v63+s15+$0x0] =	vst.idx.msk $0xffff, v6  }
0x8b: {  	[tilespmem:v7+s16+$0x0] =	vst.idx.add.f32.msk $0xffff, v8  }
0x8c: {  	s20 =	sadd.s32 $0x5, s20;
	[tilespmem:v7+s17+$0x0] =	vst.idx.add.f32.msk $0xffff, v6  }
0x8d: {  	[hbm4b:s7+s3] =	stream.linear.scatter [tilespmem:s15], [sflag:$0x2], $0x2710, $0x38;
	[tilespmem:$0xA280] =	vst v63  }
0x8e: {  	_ =	swait.ge [sflag:s18], $0x2710  }
0x8f: {  	[sflag:s18] =	ssyncset.done $0x0  }
0x90: {  	[sflag:s18] =	ssyncadd.s32 $0xFFFFD8F0  }
0x91: {  	[hbm4b:s8+s3] =	stream.linear.scatter [tilespmem:s16], [sflag:$0x2], $0x200, $0x38;
	[tilespmem:$0xA280] =	vst v63  }
0x92: {  	s19 =	sadd.s32 $0x1, s19;
	_ =	swait.ge [sflag:s18], $0x200  }
0x93: {  	p0 =	sne.s32 s19, s10;
	[sflag:s18] =	ssyncset.done $0x0  }
.Ltmp1:
0x94: {  	[sflag:s18] =	ssyncadd.s32 $0xFFFFFE00;
	(pc) =	sbr.rel @p0 .LBB2_1-.Ltmp1, $4  }
0x95: {  	[hbm4b:s9+s3] =	stream.linear.scatter [tilespmem:s17], [sflag:$0x2], $0x200, $0x38;
	[tilespmem:$0xA280] =	vst v63  }
0x96: {  	_ =	swait.ge [sflag:s18], $0x200  }
0x97: {  	[sflag:s18] =	ssyncset.done $0x0  }
0x98: {  	[sflag:s18] =	ssyncadd.s32 $0xFFFFFE00  }
0x99: {  	_ =	sfence.sel $0x180000  }
0x9a: {  	[bflag:$0x0] =	sbarrier.arrive $0xFFFF  }
0x9b: {  	p0 =	sne.s32 s0, $0x0;
	_ =	strace $0x90000047  }
0x9c: {  	s0 =	sadd.s32 @!p0 $0x100000, s1;
	[bflag:$0x2] =	sbarrier.arrive $0xFFFF  }
0x9d: {  	[sflag:s0] =	ssyncadd.tile.s32 @!p0 $0x1;
	_ =	shalt  }
.Lfunc_end2:
_tile_overlayer_lowered:
.L_overlay_start_2:
0x9e: {  	(tag) =	ssettag $0x2  }
0x9f: {  	s0 =	rddreg [dreg:$0x0];
	s2 =	stileid.u32  }
0xa0: {  	s1 =	rddreg [dreg:$0x1];
	p0 =	sne.s32 s2, $0x0  }
0xa1: {  	s3 =	rddreg [dreg:$0x2];
	[bflag:$0x3] =	sbarrier.arrive $0xFFFF;
	s2 =	simm.s32 @!p0 $0x1C02  }
0xa2: {  	[timem:s3], [sflag:s2] =	dma.local @!p0 [hbm:s0], s1  }
0xa3: {  	s0 =	simm.s32 @!p0 $0x2  }
0xa4: {  	_ =	swait.ge @!p0 [sflag:s0], s1  }
0xa5: {  	s1 =	ssub.s32 @!p0 $0x0, s1;
	[sflag:s0] =	ssyncset.done @!p0 $0x0  }
0xa6: {  	[sflag:s0] =	ssyncadd.s32 @!p0 s1  }
0xa7: {  	[bflag:$0x3] =	sbarrier.arrive $0xFFFF  }
0xa8: {  	_ =	shalt  }

// kernel: kernel.8.cloned.1.call-start
scs
__scs_entry_jumppad:
0x0: {  	(pc) =	sbr.rel $0x88, $3  }
0x1: {  	(tag) =	ssettag $0x0;
	lr =	simm.s32 $0x1  }
0x2: {  	[smem:$0x3F9B] =	sst lr;
	_ =	strace $0xD0000000  }
0x3: {  	_ = 	snop  }
0x4: {  	_ = 	snop  }
0x5: {  	_ = 	snop  }
0x6: {  	_ = 	snop  }
0x7: {  	_ = 	snop  }
__scs_overlays_trampoline_lowered:
0x8: {  	[smem:$0x3FAA] =	sst s0  }
0x9: {  	[smem:$0x3FAB] =	sst s1  }
0xa: {  	[smem:$0x3FAC] =	sst s2  }
0xb: {  	[smem:$0x3FAD] =	sst s3  }
0xc: {  	[smem:$0x3FAE] =	sst s4  }
0xd: {  	[smem:$0x3FAF] =	sst s5  }
0xe: {  	[smem:$0x3FB0] =	sst s6  }
0xf: {  	[smem:$0x3FB1] =	sst s7  }
0x10: {  	[smem:$0x3FB2] =	sst s8  }
0x11: {  	[smem:$0x3FB3] =	sst s9;
	s0 =	simm.s32 @!p0 $0x0  }
0x12: {  	s1 =	sld [smem:$0x3F99];
	s0 =	simm.s32 @p0 $0x1  }
0x13: {  	[smem:$0x3FB4] =	sst s0;
	s0 =	simm.s32 @!p1 $0x0  }
0x14: {  	s2 =	sld [smem:$0x3F98];
	s0 =	simm.s32 @p1 $0x1  }
0x15: {  	[smem:$0x3FB5] =	sst s0;
	s0 =	simm.s32 @!p2 $0x0  }
0x16: {  	s3 =	sld [smem:$0x3FDB];
	s0 =	simm.s32 @p2 $0x1  }
0x17: {  	s4 =	simm.s32 $0x1BF5;
	[smem:$0x3FB7] =	sst s0  }
0x18: {  	s0 =	sld [smem:$0x3F9A];
	_ =	swait.ge [sflag:s4], $0x0  }
0x19: {  	s7 =	sld [smem:$0x3F9B]  }
0x1a: {  	s8 =	sadd.s32 $0xFFFFE003, lr  }
0x1b: {  	s9 =	sadd.s32 $0xFFFFFEF7, lr;
	s5 =	simm.s32 $0xFFFFFFFF;
	p2 =	slt.u32 s8, $0xFFFFF086  }
0x1c: {  	p1 =	slt.u32 s9, $0xF7A;
	s5 =	simm.s32 @!p2 $0x0  }
0x1d: {  	s5 =	simm.s32 @p1 $0x1;
	p0 =	seq.s32 s7, s2  }
0x1e: {  	s7 =	smul.u32 @!p0 $0xF7A, s2;
	p2 =	seq.s32 @!p0 s5, $0x0  }
0x1f: {  	s9 =	smul.u32 $0xF7A, s1;
	s8 =	simm.s32 @!p0 $0x1BF5;
	p2 =	por !p2, p0  }
0x20: {  	[sflag:s8] =	ssyncset.s32 @!p0 $0xFFFFF086;
	s6 =	sadd.s32 @!p0 s3, s7;
	s7 =	simm.s32 @!p0 $0x108  }
0x21: {  	s3 =	sadd.s32 s3, s9;
	s6 =	sadd.s32 @!p0 $0x88, s6;
	s7 =	simm.s32 @p2 $0x1082  }
0x22: {  	[simem:s7], [sflag:s8] =	dma.local @!p0 [hbm:s6], $0xF7A  }
0x23: {  	s9 =	sor.u32 $0xD0000000, s2;
	s6 =	simm.s32 $0x108;
	_ =	swait.ge @!p0 [sflag:s8], $0x0  }
0x24: {  	s3 =	sadd.s32 $0x88, s3;
	s6 =	simm.s32 @!p1 $0x1082;
	[sflag:s4] =	ssyncset.s32 $0xFFFFF086  }
0x25: {  	[simem:s6], [sflag:s4] =	dma.local [hbm:s3], $0xF7A  }
0x26: {  	[smem:$0x3F9B] =	sst s1;
	(tag) =	ssettag s2;
	_ =	strace s9  }
0x27: {  	s1 =	sld [smem:$0x3FAB]  }
0x28: {  	s2 =	sld [smem:$0x3FAC]  }
0x29: {  	s4 =	sld [smem:$0x3FAE]  }
0x2a: {  	p0 =	seq.s32 s5, $0x0;
	s5 =	sld [smem:$0x3FAF]  }
0x2b: {  	s6 =	sld [smem:$0x3FB0]  }
0x2c: {  	s7 =	sld [smem:$0x3FB1]  }
0x2d: {  	s3 =	simm.s32 $0x108;
	s8 =	sld [smem:$0x3FB2]  }
0x2e: {  	s3 =	simm.s32 @!p0 $0x1082;
	s9 =	sld [smem:$0x3FB3]  }
0x2f: {  	lr =	sadd.s32 s0, s3;
	s0 =	sld [smem:$0x3FAA]  }
0x30: {  	s3 =	sld [smem:$0x3FAD]  }
0x31: {  	[smem:$0x3FB6] =	sst s10  }
0x32: {  	s10 =	sld [smem:$0x3FB4];
	_ =	sdelay $0x3  }
0x33: {  	p0 =	seq.s32 s10, $0x1;
	s10 =	sld [smem:$0x3FB6];
	_ =	sdelay $0x3  }
0x34: {  	[smem:$0x3FB6] =	sst s10  }
0x35: {  	s10 =	sld [smem:$0x3FB5];
	_ =	sdelay $0x3  }
0x36: {  	p1 =	seq.s32 s10, $0x1;
	s10 =	sld [smem:$0x3FB6];
	_ =	sdelay $0x3  }
0x37: {  	[smem:$0x3FB6] =	sst s10  }
0x38: {  	s10 =	sld [smem:$0x3FB7]  }
0x39: {  	_ = 	snop;
	(pc) =	sbr.ind lr, $3  }
0x3a: {  	_ = 	snop  }
0x3b: {  	_ = 	snop  }
0x3c: {  	p2 =	seq.s32 s10, $0x1;
	s10 =	sld [smem:$0x3FB6]  }
0x3d: {  	_ =	shalt  }
0x3e: {  	_ =	shalt  }
0x3f: {  	_ =	shalt  }
0x40: {  	_ =	shalt  }
0x41: {  	_ =	shalt  }
0x42: {  	_ =	shalt  }
0x43: {  	_ =	shalt  }
0x44: {  	_ =	shalt  }
0x45: {  	_ =	shalt  }
0x46: {  	_ =	shalt  }
0x47: {  	_ =	shalt  }
0x48: {  	_ =	shalt  }
0x49: {  	_ =	shalt  }
0x4a: {  	_ =	shalt  }
0x4b: {  	_ =	shalt  }
0x4c: {  	_ =	shalt  }
0x4d: {  	_ =	shalt  }
0x4e: {  	_ =	shalt  }
0x4f: {  	_ =	shalt  }
0x50: {  	_ =	shalt  }
0x51: {  	_ =	shalt  }
0x52: {  	_ =	shalt  }
0x53: {  	_ =	shalt  }
0x54: {  	_ =	shalt  }
0x55: {  	_ =	shalt  }
0x56: {  	_ =	shalt  }
0x57: {  	_ =	shalt  }
0x58: {  	_ =	shalt  }
0x59: {  	_ =	shalt  }
0x5a: {  	_ =	shalt  }
0x5b: {  	_ =	shalt  }
0x5c: {  	_ =	shalt  }
0x5d: {  	_ =	shalt  }
0x5e: {  	_ =	shalt  }
0x5f: {  	_ =	shalt  }
0x60: {  	_ =	shalt  }
0x61: {  	_ =	shalt  }
0x62: {  	_ =	shalt  }
0x63: {  	_ =	shalt  }
0x64: {  	_ =	shalt  }
0x65: {  	_ =	shalt  }
0x66: {  	_ =	shalt  }
0x67: {  	_ =	shalt  }
0x68: {  	_ =	shalt  }
0x69: {  	_ =	shalt  }
0x6a: {  	_ =	shalt  }
0x6b: {  	_ =	shalt  }
0x6c: {  	_ =	shalt  }
0x6d: {  	_ =	shalt  }
0x6e: {  	_ =	shalt  }
0x6f: {  	_ =	shalt  }
0x70: {  	_ =	shalt  }
0x71: {  	_ =	shalt  }
0x72: {  	_ =	shalt  }
0x73: {  	_ =	shalt  }
0x74: {  	_ =	shalt  }
0x75: {  	_ =	shalt  }
0x76: {  	_ =	shalt  }
0x77: {  	_ =	shalt  }
0x78: {  	_ =	shalt  }
0x79: {  	_ =	shalt  }
0x7a: {  	_ =	shalt  }
0x7b: {  	_ =	shalt  }
0x7c: {  	_ =	shalt  }
0x7d: {  	_ =	shalt  }
0x7e: {  	_ =	shalt  }
0x7f: {  	_ =	shalt  }
0x80: {  	_ =	shalt  }
0x81: {  	_ =	shalt  }
0x82: {  	_ =	shalt  }
0x83: {  	_ =	shalt  }
0x84: {  	_ =	shalt  }
0x85: {  	_ =	shalt  }
0x86: {  	_ =	shalt  }
0x87: {  	_ =	shalt  }
.Lfunc_end0:
.L_simem_size_0:
called_computation.1_lowered:
.L_overlay_start_0:
0x88: {  	s2 =	sld [smem:$0x3FD9]  }
0x89: {  	s3 =	sld [smem:$0x3FFE];
	_ =	sdelay $0x1  }
0x8a: {  	s1 =	srdreg.scid  }
0x8b: {  	s0 =	sand.u32 $0x1, s1  }
0x8c: {  	s17 =	sshll.u32 s0, $0xA;
	s2 =	sadd.s32 s3, s2  }
0x8d: {  	s2 =	sadd.s32 s2, s17  }
0x8e: {  	[smem:$0x3FC2] =	sst s2  }
0x8f: {  	_ = 	snop  }
0x90: {  	s2 =	sld [smem:$0x3FC7]  }
0x91: {  	s18 =	sld [smem:$0x3FC6]  }
0x92: {  	s4 =	sld [smem:$0x3FD0];
	(tm) =	ssettm $0x1  }
0x93: {  	s5 =	sld [smem:$0x3FFB];
	_ =	sdelay $0x3  }
0x94: {  	_ =	strace s5  }
0x95: {  	s5 =	sld [smem:$0x3FFC];
	_ =	sdelay $0x3  }
0x96: {  	_ =	strace s5  }
0x97: {  	s5 =	sld [smem:$0x3FFD];
	_ =	sdelay $0x3  }
0x98: {  	_ =	strace s5  }
0x99: {  	_ =	strace $0x8FFFFFFF  }
0x9a: {  	s19 =	sld [smem:$0x3FDB];
	_ =	sdelay $0x1  }
0x9b: {  	s6 =	simm.s32 $_scs_section_size  }
0x9c: {  	s7 =	simm.s32 $_size__tile_overlayer_lowered;
	s8 =	simm.s32 $_tile_overlayer_lowered  }
0x9d: {  	s22 =	simm.s32 $0x1BFF;
	s21 =	sshll.u32 s8, $0x1;
	s5 =	sadd.s32 s6, s19  }
0x9e: {  	s9 =	simm.s32 $0x0;
	s20 =	sshll.u32 s7, $0x1;
	s7 =	sadd.s32 s21, s5  }
0x9f: {  	[timem:s9], [sflag:s22] =	dma.local [hbm:s7], s20  }
0xa0: {  	_ =	swait.ge [sflag:s22], s20  }
0xa1: {  	s6 =	ssub.s32 $0x0, s20;
	[sflag:s22] =	ssyncset.done $0x0  }
0xa2: {  	[sflag:s22] =	ssyncadd.s32 s6;
	_ =	sdelay $0x1  }
0xa3: {  	s23 =	simm.s32 $0x1B8B  }
0xa4: {  	_ =	swait.ge [sflag:s23], $0x1  }
0xa5: {  	[sflag:s23] =	ssyncset.done $0x0  }
0xa6: {  	s25 =	simm.s32 $0x1B8E;
	s24 =	sld [smem:$0x3FFE];
	[sflag:s23] =	ssyncadd.s32 $0xFFFFFFFF  }
0xa7: {  	s26 =	simm.s32 $execute0_lowered;
	[smem:$0x3FD2] =	sst s25  }
0xa8: {  	s7 =	sshll.u32 s26, $0x1;
	_ =	strace $0x80000049;
	[dreg:$0x1] =	wrdreg $0xFFFFFFFF  }
0xa9: {  	s28 =	simm.s32 $_size_execute0_lowered;
	s5 =	sadd.s32 s5, s7;
	[dreg:$0x0] =	wrdreg $0x0  }
0xaa: {  	s7 =	sshll.u32 s28, $0x1;
	[dreg:$0x2] =	wrdreg s5  }
0xab: {  	[dreg:$0x3] =	wrdreg s7  }
0xac: {  	[dreg:$0x4] =	wrdreg $0xC0  }
0xad: {  	_ =	task [dreg:s9], $0x5FFFF  }
0xae: {  	[dreg:$0x1] =	wrdreg $0xFFFFFFFF  }
0xaf: {  	[dreg:$0x0] =	wrdreg $0x60  }
0xb0: {  	[dreg:$0x2] =	wrdreg s24  }
0xb1: {  	[dreg:$0x3] =	wrdreg s18  }
0xb2: {  	[dreg:$0x4] =	wrdreg s2  }
0xb3: {  	[dreg:$0x5] =	wrdreg s4  }
0xb4: {  	[dreg:$0x6] =	wrdreg $0x9  }
0xb5: {  	_ =	task.clear_ibuf [dreg:s9], $0x7FFFF;
	_ =	strace $0x90000049  }
0xb6: {  	s29 =	simm.s32 $0x9;
	_ =	strace $0x8000004B  }
0xb7: {  	_ =	swait.ge [sflag:s29], $0x1  }
0xb8: {  	[sflag:s29] =	ssyncadd.s32 $0xFFFFFFFF  }
0xb9: {  	_ =	strace $0x9000004B  }
0xba: {  	_ =	sfence  }
0xbb: {  	s30 =	sld [smem:$0x0];
	_ =	sdelay $0x2  }
0xbc: {  	s31 =	sshll.u32 s1, $0xD;
	s1 =	sshrl.u32 s1, $0x2  }
0xbd: {  	s3 =	sand.u32 $0x4000, s31;
	s1 =	sadd.s32 s1, s30  }
0xbe: {  	s0 =	sor.u32 s3, s0;
	s1 =	sshll.u32 s1, $0x11  }
0xbf: {  	s0 =	sor.u32 s1, s0  }
0xc0: {  	s0 =	sadd.s32 $0x8F2B, s0  }
0xc1: {  	[sflag:s0] =	ssyncadd.remote.s32 $0x1  }
0xc2: {  	_ =	sfence.sel $0xFFFF  }
0xc3: {  	[dreg:$0x0] =	wrdreg $0xFFFFFFFF;
	(pc) =	sbr.abs _section_cstart, $3  }
0xc4: {  	[dreg:$0x1] =	wrdreg $0xFFFFFFFF  }
0xc5: {  	_ =	task.clear_ibuf [dreg:s9], $0x2FFFF;
	_ =	strace $0x9FFFFFFF  }
0xc6: {  	(tm) =	ssettm $0x7FFFFFFF  }
0xc7: {  	_ =	shalt  }
tec
execute0_lowered:
.L_overlay_start_1:
0x0: {  	(tag) =	ssettag $0x1  }
0x1: {  	s5 =	rddreg [dreg:$0x0]  }
0x2: {  	s1 =	rddreg [dreg:$0x1]  }
0x3: {  	s8 =	rddreg [dreg:$0x2];
	s2 =	srdreg.scid  }
0x4: {  	s0 =	stileid.u32;
	s9 =	rddreg [dreg:$0x3]  }
0x5: {  	s3 =	simm.s32 $0x0;
	s12 =	simm.s32 $0x8000;
	s13 =	simm.s32 $0x8400  }
0x6: {  	s14 =	simm.s32 $0xAB80;
	s15 =	simm.s32 $0xD300;
	s16 =	simm.s32 $0x1  }
0x7: {  	s17 =	simm.s32 $0x2;
	s18 =	simm.s32 $0x8200;
	s19 =	simm.s32 $0xFA80  }
0x8: {  	s20 =	simm.s32 $0x3;
	s4 =	sand.u32 $0x1, s2;
	s6 =	sshll.u32 s0, $0x1  }
0x9: {  	s21 =	simm.s32 $0x0;
	s2 =	rddreg [dreg:$0x4];
	s6 =	sor.u32 s4, s6  }
0xa: {  	[smem:$0x7FF] =	sst s3;
	s31 =	ssub.s32 $0x2, s4;
	s10 =	smul.u32 $0x4E2, s6  }
0xb: {  	_ =	strace $0x8000004A;
	s4 =	sadd.s32 $0x14E00, s5;
	s11 =	sshrl.u32 s31, $0x1  }
0xc: {  	s11 =	ssub.s32 s31, s11;
	s7 =	sadd.s32 s10, s5;
	s5 =	sadd.s32 $0x15600, s5  }
0xd: {  	s8 =	sadd.s32 s8, s10;
	s9 =	sadd.s32 s9, s10;
	s10 =	smax.u32 s11, $0x1  }
0xe: {  	s11 =	simm.s32 $0x4000;
	s6 =	sadd.s32 $0x1200, s7;
	s7 =	sadd.s32 $0xB000, s7  }
.LBB2_1:
0xf: {  	[tilespmem:s3], [sflag:$0x1] =	stream.linear.gather [hbm4b:s4+s3], $0x4000, $0x38;
	[tilespmem:$0x12200] =	vst v63  }
0x10: {  	_ = 	snop  }
0x11: {  	[tilespmem:s11], [sflag:$0x1] =	stream.linear.gather [hbm4b:s5+s3], $0x4000, $0x38;
	[tilespmem:$0x12200] =	vst v63  }
0x12: {  	_ = 	snop  }
0x13: {  	[tilespmem:s12], [sflag:$0x1] =	stream.linear.gather [hbm4b:s1+s3], $0x200, $0x38;
	[tilespmem:$0x12200] =	vst v63  }
0x14: {  	_ = 	snop  }
0x15: {  	[tilespmem:s13], [sflag:$0x2] =	stream.linear.gather [hbm4b:s6+s3], $0x2710, $0x38;
	[tilespmem:$0x12200] =	vst v63  }
0x16: {  	_ = 	snop  }
0x17: {  	[tilespmem:s14], [sflag:$0x2] =	stream.linear.gather [hbm4b:s7+s3], $0x2710, $0x38;
	[tilespmem:$0x12200] =	vst v63  }
0x18: {  	_ = 	snop  }
0x19: {  	[tilespmem:s15], [sflag:$0x2] =	stream.linear.gather [hbm4b:s8+s3], $0x2710, $0x38;
	[tilespmem:$0x12200] =	vst v63  }
0x1a: {  	_ =	swait.ge [sflag:s16], $0x4000  }
0x1b: {  	[sflag:s16] =	ssyncset.done $0x0  }
0x1c: {  	[sflag:s16] =	ssyncadd.s32 $0xFFFFC000  }
0x1d: {  	_ =	swait.ge [sflag:s16], $0x4000  }
0x1e: {  	[sflag:s16] =	ssyncset.done $0x0  }
0x1f: {  	[sflag:s16] =	ssyncadd.s32 $0xFFFFC000  }
0x20: {  	_ =	swait.ge [sflag:s16], $0x200  }
0x21: {  	[sflag:s16] =	ssyncset.done $0x0  }
0x22: {  	s22 =	simm.s32 $0x0;
	[sflag:s16] =	ssyncadd.s32 $0xFFFFFE00  }
0x23: {  	v0 =	vld [tilespmem:s22+$0x0];
	_ =	sdelay $0x1  }
0x24: {  	v1 =	vld [tilespmem:s22+$0x200];
	_ =	sdelay $0x1  }
0x25: {  	v2 =	vld [tilespmem:s22+$0x400]  }
0x26: {  	v0 =	vadd.f32 $0.0e+00, v0  }
0x27: {  	v3 =	vld [tilespmem:s22+$0x600]  }
0x28: {  	v4 =	vld [tilespmem:s22+$0x4000];
	v0 =	vadd.f32 v1, v0  }
0x29: {  	v1 =	vld [tilespmem:s22+$0x800]  }
0x2a: {  	v5 =	vld [tilespmem:s22+$0x4200];
	v0 =	vadd.f32 v2, v0  }
0x2b: {  	v2 =	vld [tilespmem:s22+$0xA00]  }
0x2c: {  	v6 =	vld [tilespmem:s22+$0x4400];
	v0 =	vadd.f32 v3, v0  }
0x2d: {  	v3 =	vld [tilespmem:s22+$0xC00]  }
0x2e: {  	v7 =	vld [tilespmem:s22+$0x4600];
	v4 =	vadd.f32 $0.0e+00, v4;
	v0 =	vadd.f32 v1, v0  }
0x2f: {  	v1 =	vld [tilespmem:s22+$0xE00]  }
0x30: {  	v8 =	vld [tilespmem:s22+$0x4800];
	v4 =	vadd.f32 v5, v4;
	v0 =	vadd.f32 v2, v0  }
0x31: {  	v2 =	vld [tilespmem:s22+$0x1000]  }
0x32: {  	v5 =	vld [tilespmem:s22+$0x4A00];
	v4 =	vadd.f32 v6, v4;
	v0 =	vadd.f32 v3, v0  }
0x33: {  	v3 =	vld [tilespmem:s22+$0x1200]  }
0x34: {  	v6 =	vld [tilespmem:s22+$0x4C00];
	v4 =	vadd.f32 v7, v4;
	v0 =	vadd.f32 v1, v0  }
0x35: {  	v1 =	vld [tilespmem:s22+$0x1400]  }
0x36: {  	v7 =	vld [tilespmem:s22+$0x4E00];
	v4 =	vadd.f32 v8, v4;
	v0 =	vadd.f32 v2, v0  }
0x37: {  	v2 =	vld [tilespmem:s22+$0x1600]  }
0x38: {  	v8 =	vld [tilespmem:s22+$0x5000];
	v4 =	vadd.f32 v5, v4;
	v0 =	vadd.f32 v3, v0  }
0x39: {  	v3 =	vld [tilespmem:s22+$0x1800]  }
0x3a: {  	v5 =	vld [tilespmem:s22+$0x5200];
	v4 =	vadd.f32 v6, v4;
	v0 =	vadd.f32 v1, v0  }
0x3b: {  	v1 =	vld [tilespmem:s22+$0x1A00]  }
0x3c: {  	v6 =	vld [tilespmem:s22+$0x5400];
	v4 =	vadd.f32 v7, v4;
	v0 =	vadd.f32 v2, v0  }
0x3d: {  	v2 =	vld [tilespmem:s22+$0x1C00]  }
0x3e: {  	v7 =	vld [tilespmem:s22+$0x5600];
	v4 =	vadd.f32 v8, v4;
	v0 =	vadd.f32 v3, v0  }
0x3f: {  	v3 =	vld [tilespmem:s22+$0x1E00]  }
0x40: {  	v8 =	vld [tilespmem:s22+$0x5800];
	v4 =	vadd.f32 v5, v4;
	v0 =	vadd.f32 v1, v0  }
0x41: {  	v1 =	vld [tilespmem:s22+$0x2000]  }
0x42: {  	v5 =	vld [tilespmem:s22+$0x5A00];
	v4 =	vadd.f32 v6, v4;
	v0 =	vadd.f32 v2, v0  }
0x43: {  	v2 =	vld [tilespmem:s22+$0x2200]  }
0x44: {  	v6 =	vld [tilespmem:s22+$0x5C00];
	v4 =	vadd.f32 v7, v4;
	v0 =	vadd.f32 v3, v0  }
0x45: {  	v3 =	vld [tilespmem:s22+$0x2400]  }
0x46: {  	v7 =	vld [tilespmem:s22+$0x5E00];
	v4 =	vadd.f32 v8, v4;
	v0 =	vadd.f32 v1, v0  }
0x47: {  	v1 =	vld [tilespmem:s22+$0x2600]  }
0x48: {  	v8 =	vld [tilespmem:s22+$0x6000];
	v4 =	vadd.f32 v5, v4;
	v0 =	vadd.f32 v2, v0  }
0x49: {  	v2 =	vld [tilespmem:s22+$0x2800]  }
0x4a: {  	v5 =	vld [tilespmem:s22+$0x6200];
	v4 =	vadd.f32 v6, v4;
	v0 =	vadd.f32 v3, v0  }
0x4b: {  	v3 =	vld [tilespmem:s22+$0x2A00]  }
0x4c: {  	v6 =	vld [tilespmem:s22+$0x6400];
	v4 =	vadd.f32 v7, v4;
	v0 =	vadd.f32 v1, v0  }
0x4d: {  	v1 =	vld [tilespmem:s22+$0x2C00]  }
0x4e: {  	v7 =	vld [tilespmem:s22+$0x6600];
	v4 =	vadd.f32 v8, v4;
	v0 =	vadd.f32 v2, v0  }
0x4f: {  	v2 =	vld [tilespmem:s22+$0x2E00]  }
0x50: {  	v8 =	vld [tilespmem:s22+$0x6800];
	v4 =	vadd.f32 v5, v4;
	v0 =	vadd.f32 v3, v0  }
0x51: {  	v3 =	vld [tilespmem:s22+$0x3000]  }
0x52: {  	v5 =	vld [tilespmem:s22+$0x6A00];
	v4 =	vadd.f32 v6, v4;
	v0 =	vadd.f32 v1, v0  }
0x53: {  	v1 =	vld [tilespmem:s22+$0x3200]  }
0x54: {  	v6 =	vld [tilespmem:s22+$0x6C00];
	v4 =	vadd.f32 v7, v4;
	v0 =	vadd.f32 v2, v0  }
0x55: {  	v2 =	vld [tilespmem:s22+$0x3400]  }
0x56: {  	v7 =	vld [tilespmem:s22+$0x6E00];
	v4 =	vadd.f32 v8, v4;
	v0 =	vadd.f32 v3, v0  }
0x57: {  	v3 =	vld [tilespmem:s22+$0x3600]  }
0x58: {  	v8 =	vld [tilespmem:s22+$0x7000];
	v4 =	vadd.f32 v5, v4;
	v0 =	vadd.f32 v1, v0  }
0x59: {  	v5 =	vld [tilespmem:s22+$0x3800]  }
0x5a: {  	v9 =	vld [tilespmem:s22+$0x7200];
	v4 =	vadd.f32 v6, v4;
	v0 =	vadd.f32 v2, v0  }
0x5b: {  	v10 =	vld [tilespmem:s22+$0x3A00]  }
0x5c: {  	v4 =	vadd.f32 v7, v4;
	v1 =	vld [tilespmem:s22+$0x7400];
	v0 =	vadd.f32 v3, v0  }
0x5d: {  	v3 =	vld [tilespmem:s22+$0x3C00]  }
0x5e: {  	v6 =	vadd.f32 v8, v4;
	v4 =	vld [tilespmem:s22+$0x3E00];
	v5 =	vadd.f32 v5, v0  }
0x5f: {  	v2 =	vld [tilespmem:s22+$0x7600]  }
0x60: {  	v6 =	vadd.f32 v9, v6;
	v0 =	vld [tilespmem:s22+$0x8000];
	v7 =	vadd.f32 v10, v5  }
0x61: {  	s23 =	simm.s32 $0x10;
	s24 =	simm.s32 $0x80;
	v5 =	vld [tilespmem:s22+$0x7800]  }
.LBB2_2:
0x62: {  	p0 =	sne.s32 s24, $0x7C0;
	v8 =	vld [tilespmem:s23+$0x0];
	v1 =	vadd.f32 v1, v6;
	v3 =	vadd.f32 v3, v7  }
0x63: {  	v6 =	vld [tilespmem:s22+$0x7A00]  }
0x64: {  	v7 =	vld [tilespmem:s23+$0x200];
	v1 =	vadd.f32 v2, v1;
	v2 =	vadd.f32 v4, v3  }
0x65: {  	v3 =	vld [tilespmem:s22+$0x7C00]  }
0x66: {  	v4 =	vld [tilespmem:s23+$0x400];
	v1 =	vadd.f32 v5, v1;
	(erf) = vrcp.f32 v2  }
0x67: {  	v2 =	vadd.f32 $0.0e+00, v8;
	v5 =	vld [tilespmem:s22+$0x7E00]  }
0x68: {  	v8 =	vld [tilespmem:s23+$0x600];
	v1 =	vadd.f32 v6, v1  }
0x69: {  	v6 =	vld [tilespmem:s23+$0x4000];
	v2 =	vadd.f32 v7, v2  }
0x6a: {  	v7 =	vld [tilespmem:s23+$0x800];
	v1 =	vadd.f32 v3, v1  }
0x6b: {  	v3 =	vld [tilespmem:s23+$0x4200];
	v2 =	vadd.f32 v4, v2  }
0x6c: {  	v4 =	vld [tilespmem:s23+$0xA00];
	v1 =	vadd.f32 v5, v1  }
0x6d: {  	v5 =	vld [tilespmem:s23+$0x4400];
	v2 =	vadd.f32 v8, v2  }
0x6e: {  	v8 =	vld [tilespmem:s23+$0xC00];
	v0 =	vsub.f32 v1, v0  }
0x6f: {  	v1 =	vadd.f32 $0.0e+00, v6;
	v6 =	vld [tilespmem:s23+$0x4600];
	v2 =	vadd.f32 v7, v2;
	v7 =	vpop (erf)  }
0x70: {  	v9 =	vld [tilespmem:s23+$0xE00];
	v0 =	vmul.f32 v0, v7  }
0x71: {  	v1 =	vadd.f32 v3, v1;
	v3 =	vld [tilespmem:s23+$0x4800];
	v2 =	vadd.f32 v4, v2  }
0x72: {  	v4 =	vld [tilespmem:s23+$0x1000];
	[tilespmem:s22+$0x8200] =	vst v0;
	s22 =	smov.u32 s23  }
0x73: {  	v0 =	vadd.f32 v5, v1;
	v1 =	vld [tilespmem:s22+$0x4A00];
	v2 =	vadd.f32 v8, v2  }
0x74: {  	v5 =	vld [tilespmem:s22+$0x1200]  }
0x75: {  	v0 =	vadd.f32 v6, v0;
	v6 =	vld [tilespmem:s22+$0x4C00];
	v2 =	vadd.f32 v9, v2  }
0x76: {  	v7 =	vld [tilespmem:s22+$0x1400]  }
0x77: {  	v0 =	vadd.f32 v3, v0;
	v3 =	vld [tilespmem:s22+$0x4E00];
	v2 =	vadd.f32 v4, v2  }
0x78: {  	v4 =	vld [tilespmem:s22+$0x1600]  }
0x79: {  	v0 =	vadd.f32 v1, v0;
	v1 =	vld [tilespmem:s22+$0x5000];
	v2 =	vadd.f32 v5, v2  }
0x7a: {  	v5 =	vld [tilespmem:s22+$0x1800]  }
0x7b: {  	v0 =	vadd.f32 v6, v0;
	v6 =	vld [tilespmem:s22+$0x5200];
	v2 =	vadd.f32 v7, v2  }
0x7c: {  	v7 =	vld [tilespmem:s22+$0x1A00]  }
0x7d: {  	v0 =	vadd.f32 v3, v0;
	v3 =	vld [tilespmem:s22+$0x5400];
	v2 =	vadd.f32 v4, v2  }
0x7e: {  	v4 =	vld [tilespmem:s22+$0x1C00]  }
0x7f: {  	v0 =	vadd.f32 v1, v0;
	v1 =	vld [tilespmem:s22+$0x5600];
	v2 =	vadd.f32 v5, v2  }
0x80: {  	v5 =	vld [tilespmem:s22+$0x1E00]  }
0x81: {  	v0 =	vadd.f32 v6, v0;
	v6 =	vld [tilespmem:s22+$0x5800];
	v2 =	vadd.f32 v7, v2  }
0x82: {  	v7 =	vld [tilespmem:s22+$0x2000]  }
0x83: {  	v0 =	vadd.f32 v3, v0;
	v3 =	vld [tilespmem:s22+$0x5A00];
	v2 =	vadd.f32 v4, v2  }
0x84: {  	v4 =	vld [tilespmem:s22+$0x2200]  }
0x85: {  	v0 =	vadd.f32 v1, v0;
	v1 =	vld [tilespmem:s22+$0x5C00];
	v2 =	vadd.f32 v5, v2  }
0x86: {  	v5 =	vld [tilespmem:s22+$0x2400]  }
0x87: {  	v0 =	vadd.f32 v6, v0;
	v6 =	vld [tilespmem:s22+$0x5E00];
	v2 =	vadd.f32 v7, v2  }
0x88: {  	v7 =	vld [tilespmem:s22+$0x2600]  }
0x89: {  	v0 =	vadd.f32 v3, v0;
	v3 =	vld [tilespmem:s22+$0x6000];
	v2 =	vadd.f32 v4, v2  }
0x8a: {  	v4 =	vld [tilespmem:s22+$0x2800]  }
0x8b: {  	v0 =	vadd.f32 v1, v0;
	v1 =	vld [tilespmem:s22+$0x6200];
	v2 =	vadd.f32 v5, v2  }
0x8c: {  	v5 =	vld [tilespmem:s22+$0x2A00]  }
0x8d: {  	v0 =	vadd.f32 v6, v0;
	v6 =	vld [tilespmem:s22+$0x6400];
	v2 =	vadd.f32 v7, v2  }
0x8e: {  	v7 =	vld [tilespmem:s22+$0x2C00]  }
0x8f: {  	v0 =	vadd.f32 v3, v0;
	v3 =	vld [tilespmem:s22+$0x6600];
	v2 =	vadd.f32 v4, v2  }
0x90: {  	v4 =	vld [tilespmem:s22+$0x2E00]  }
0x91: {  	v0 =	vadd.f32 v1, v0;
	v1 =	vld [tilespmem:s22+$0x6800];
	v2 =	vadd.f32 v5, v2  }
0x92: {  	v5 =	vld [tilespmem:s22+$0x3000]  }
0x93: {  	v0 =	vadd.f32 v6, v0;
	v6 =	vld [tilespmem:s22+$0x6A00];
	v2 =	vadd.f32 v7, v2  }
0x94: {  	v7 =	vld [tilespmem:s22+$0x3200]  }
0x95: {  	v0 =	vadd.f32 v3, v0;
	v3 =	vld [tilespmem:s22+$0x6C00];
	v2 =	vadd.f32 v4, v2  }
0x96: {  	v4 =	vld [tilespmem:s22+$0x3400]  }
0x97: {  	v0 =	vadd.f32 v1, v0;
	v1 =	vld [tilespmem:s22+$0x6E00];
	v2 =	vadd.f32 v5, v2  }
0x98: {  	v5 =	vld [tilespmem:s22+$0x3600]  }
0x99: {  	v0 =	vadd.f32 v6, v0;
	v6 =	vld [tilespmem:s22+$0x7000];
	v2 =	vadd.f32 v7, v2  }
0x9a: {  	v7 =	vld [tilespmem:s22+$0x3800]  }
0x9b: {  	v0 =	vadd.f32 v3, v0;
	v8 =	vld [tilespmem:s22+$0x7200];
	v2 =	vadd.f32 v4, v2  }
0x9c: {  	v9 =	vld [tilespmem:s22+$0x3A00]  }
0x9d: {  	v0 =	vadd.f32 v1, v0;
	v1 =	vld [tilespmem:s22+$0x7400];
	v4 =	vadd.f32 v5, v2  }
.Ltmp0:
0x9e: {  	v3 =	vld [tilespmem:s22+$0x3C00];
	(pc) =	sbr.rel @p0 .LBB2_2-.Ltmp0, $4  }
0x9f: {  	v0 =	vadd.f32 v6, v0;
	v2 =	vld [tilespmem:s22+$0x7600];
	v5 =	vadd.f32 v7, v4  }
0xa0: {  	v4 =	vld [tilespmem:s22+$0x3E00]  }
0xa1: {  	v6 =	vadd.f32 v8, v0;
	v7 =	vadd.f32 v9, v5;
	v0 =	vld [tilespmem:s22+$0x8000]  }
0xa2: {  	s23 =	sshra.s32 s24, $0x2;
	s24 =	sadd.s32 $0x40, s24;
	v5 =	vld [tilespmem:s22+$0x7800]  }
0xa3: {  	v8 =	vld [tilespmem:s23+$0x0];
	v1 =	vadd.f32 v1, v6;
	v3 =	vadd.f32 v3, v7  }
0xa4: {  	v21 =	vld [tilespmem:s22+$0x7A00]  }
0xa5: {  	v22 =	vld [tilespmem:s23+$0x200];
	v1 =	vadd.f32 v2, v1;
	v2 =	vadd.f32 v4, v3  }
0xa6: {  	v3 =	vld [tilespmem:s22+$0x7C00]  }
0xa7: {  	v23 =	vld [tilespmem:s23+$0x400];
	v1 =	vadd.f32 v5, v1;
	(erf) = vrcp.f32 v2  }
0xa8: {  	v2 =	vld [tilespmem:s22+$0x7E00];
	v24 =	vadd.f32 $0.0e+00, v8  }
0xa9: {  	v25 =	vld [tilespmem:s23+$0x600];
	v1 =	vadd.f32 v21, v1  }
0xaa: {  	v26 =	vld [tilespmem:s23+$0x4000];
	v5 =	vadd.f32 v22, v24  }
0xab: {  	v27 =	vld [tilespmem:s23+$0x800];
	v1 =	vadd.f32 v3, v1  }
0xac: {  	v28 =	vld [tilespmem:s23+$0xA00];
	v4 =	vadd.f32 v23, v5  }
0xad: {  	v3 =	vld [tilespmem:s23+$0x4200];
	v1 =	vadd.f32 v2, v1  }
0xae: {  	v29 =	vld [tilespmem:s23+$0xC00];
	v4 =	vadd.f32 v25, v4  }
0xaf: {  	v2 =	vld [tilespmem:s23+$0x4400];
	v0 =	vsub.f32 v1, v0  }
0xb0: {  	v9 =	vld [tilespmem:s23+$0xE00];
	v6 =	vadd.f32 $0.0e+00, v26;
	v4 =	vadd.f32 v27, v4;
	v30 =	vpop (erf)  }
0xb1: {  	v1 =	vld [tilespmem:s23+$0x4600];
	v0 =	vmul.f32 v0, v30  }
0xb2: {  	v31 =	vld [tilespmem:s23+$0x4800];
	v3 =	vadd.f32 v3, v6;
	v4 =	vadd.f32 v28, v4  }
0xb3: {  	v32 =	vld [tilespmem:s23+$0x1000];
	[tilespmem:s22+$0x8200] =	vst v0  }
0xb4: {  	v0 =	vadd.f32 v2, v3;
	v2 =	vld [tilespmem:s23+$0x4A00];
	v3 =	vadd.f32 v29, v4  }
0xb5: {  	v33 =	vld [tilespmem:s23+$0x1200]  }
0xb6: {  	v34 =	vld [tilespmem:s23+$0x1400];
	v0 =	vadd.f32 v1, v0;
	v3 =	vadd.f32 v9, v3  }
0xb7: {  	v1 =	vld [tilespmem:s23+$0x4C00]  }
0xb8: {  	v35 =	vld [tilespmem:s23+$0x4E00];
	v0 =	vadd.f32 v31, v0;
	v3 =	vadd.f32 v32, v3  }
0xb9: {  	v36 =	vld [tilespmem:s23+$0x1600]  }
0xba: {  	v37 =	vld [tilespmem:s23+$0x1800];
	v0 =	vadd.f32 v2, v0;
	v3 =	vadd.f32 v33, v3  }
0xbb: {  	v2 =	vld [tilespmem:s23+$0x5000]  }
0xbc: {  	v38 =	vld [tilespmem:s23+$0x1A00];
	v0 =	vadd.f32 v1, v0;
	v3 =	vadd.f32 v34, v3  }
0xbd: {  	v1 =	vld [tilespmem:s23+$0x5200]  }
0xbe: {  	v39 =	vld [tilespmem:s23+$0x5400];
	v0 =	vadd.f32 v35, v0;
	v3 =	vadd.f32 v36, v3  }
0xbf: {  	v40 =	vld [tilespmem:s23+$0x1C00]  }
0xc0: {  	v41 =	vld [tilespmem:s23+$0x1E00];
	v0 =	vadd.f32 v2, v0;
	v3 =	vadd.f32 v37, v3  }
0xc1: {  	v2 =	vld [tilespmem:s23+$0x5600]  }
0xc2: {  	v42 =	vld [tilespmem:s23+$0x2000];
	v0 =	vadd.f32 v1, v0;
	v3 =	vadd.f32 v38, v3  }
0xc3: {  	v1 =	vld [tilespmem:s23+$0x5800]  }
0xc4: {  	v43 =	vld [tilespmem:s23+$0x5A00];
	v0 =	vadd.f32 v39, v0;
	v3 =	vadd.f32 v40, v3  }
0xc5: {  	v44 =	vld [tilespmem:s23+$0x2200]  }
0xc6: {  	v45 =	vld [tilespmem:s23+$0x2400];
	v0 =	vadd.f32 v2, v0;
	v3 =	vadd.f32 v41, v3  }
0xc7: {  	v2 =	vld [tilespmem:s23+$0x5C00]  }
0xc8: {  	v46 =	vld [tilespmem:s23+$0x2600];
	v0 =	vadd.f32 v1, v0;
	v3 =	vadd.f32 v42, v3  }
0xc9: {  	v1 =	vld [tilespmem:s23+$0x5E00]  }
0xca: {  	v47 =	vld [tilespmem:s23+$0x6000];
	v0 =	vadd.f32 v43, v0;
	v3 =	vadd.f32 v44, v3  }
0xcb: {  	v48 =	vld [tilespmem:s23+$0x2800]  }
0xcc: {  	v49 =	vld [tilespmem:s23+$0x2A00];
	v0 =	vadd.f32 v2, v0;
	v3 =	vadd.f32 v45, v3  }
0xcd: {  	v2 =	vld [tilespmem:s23+$0x6200]  }
0xce: {  	v50 =	vld [tilespmem:s23+$0x2C00];
	v0 =	vadd.f32 v1, v0;
	v3 =	vadd.f32 v46, v3  }
0xcf: {  	v1 =	vld [tilespmem:s23+$0x6400]  }
0xd0: {  	v51 =	vld [tilespmem:s23+$0x6600];
	v0 =	vadd.f32 v47, v0;
	v3 =	vadd.f32 v48, v3  }
0xd1: {  	v52 =	vld [tilespmem:s23+$0x2E00]  }
0xd2: {  	v53 =	vld [tilespmem:s23+$0x3000];
	v0 =	vadd.f32 v2, v0;
	v3 =	vadd.f32 v49, v3  }
0xd3: {  	v2 =	vld [tilespmem:s23+$0x6800]  }
0xd4: {  	v54 =	vld [tilespmem:s23+$0x3200];
	v0 =	vadd.f32 v1, v0;
	v3 =	vadd.f32 v50, v3  }
0xd5: {  	v1 =	vld [tilespmem:s23+$0x6A00]  }
0xd6: {  	v55 =	vld [tilespmem:s23+$0x6C00];
	v0 =	vadd.f32 v51, v0;
	v3 =	vadd.f32 v52, v3  }
0xd7: {  	v56 =	vld [tilespmem:s23+$0x3400]  }
0xd8: {  	v57 =	vld [tilespmem:s23+$0x3600];
	v0 =	vadd.f32 v2, v0;
	v3 =	vadd.f32 v53, v3  }
0xd9: {  	v2 =	vld [tilespmem:s23+$0x6E00]  }
0xda: {  	v58 =	vld [tilespmem:s23+$0x3800];
	v0 =	vadd.f32 v1, v0;
	v3 =	vadd.f32 v54, v3  }
0xdb: {  	v1 =	vld [tilespmem:s23+$0x7000]  }
0xdc: {  	v59 =	vld [tilespmem:s23+$0x7200];
	v0 =	vadd.f32 v55, v0;
	v3 =	vadd.f32 v56, v3  }
0xdd: {  	v60 =	vld [tilespmem:s23+$0x3A00]  }
0xde: {  	v61 =	vld [tilespmem:s23+$0x3C00];
	v0 =	vadd.f32 v2, v0;
	v3 =	vadd.f32 v57, v3  }
0xdf: {  	v2 =	vld [tilespmem:s23+$0x7400]  }
0xe0: {  	v62 =	vld [tilespmem:s23+$0x3E00];
	v0 =	vadd.f32 v1, v0;
	v3 =	vadd.f32 v58, v3  }
0xe1: {  	v1 =	vld [tilespmem:s23+$0x7600]  }
0xe2: {  	v0 =	vadd.f32 v59, v0;
	v3 =	vadd.f32 v60, v3  }
0xe3: {  	v63 =	vld [tilespmem:s23+$0x7800]  }
0xe4: {  	v0 =	vadd.f32 v2, v0;
	v2 =	vadd.f32 v61, v3  }
0xe5: {  	v3 =	vld [tilespmem:s23+$0x7A00]  }
0xe6: {  	v0 =	vadd.f32 v1, v0;
	v1 =	vadd.f32 v62, v2  }
0xe7: {  	v2 =	vld [tilespmem:s23+$0x7C00]  }
0xe8: {  	v0 =	vadd.f32 v63, v0;
	(erf) = vrcp.f32 v1  }
0xe9: {  	v1 =	vld [tilespmem:s23+$0x7E00]  }
0xea: {  	v0 =	vadd.f32 v3, v0  }
0xeb: {  	v3 =	vld [tilespmem:s23+$0x8000]  }
0xec: {  	v0 =	vadd.f32 v2, v0;
	_ =	sdelay $0x1  }
0xed: {  	v0 =	vadd.f32 v1, v0;
	_ =	sdelay $0x1  }
0xee: {  	v0 =	vsub.f32 v0, v3  }
0xef: {  	v1 =	vpop (erf)  }
0xf0: {  	v0 =	vmul.f32 v0, v1;
	_ =	sdelay $0x1  }
0xf1: {  	[tilespmem:s23+$0x8200] =	vst v0  }
0xf2: {  	_ =	swait.ge [sflag:s17], $0x2710  }
0xf3: {  	[sflag:s17] =	ssyncset.done $0x0  }
0xf4: {  	[sflag:s17] =	ssyncadd.s32 $0xFFFFD8F0  }
0xf5: {  	_ =	swait.ge [sflag:s17], $0x2710  }
0xf6: {  	[sflag:s17] =	ssyncset.done $0x0  }
0xf7: {  	[sflag:s17] =	ssyncadd.s32 $0xFFFFD8F0  }
0xf8: {  	_ =	swait.ge [sflag:s17], $0x2710  }
0xf9: {  	[sflag:s17] =	ssyncset.done $0x0  }
0xfa: {  	s22 =	simm.s32 $0x0;
	[sflag:s17] =	ssyncadd.s32 $0xFFFFD8F0  }
0xfb: {  	v0 =	vld [tilespmem:s22+$0xD300];
	_ =	sdelay $0x6  }
0xfc: {  	v1 =	vld [tilespmem:s22+$0x8400]  }
0xfd: {  	v0 =	vld.idx.msk [tilespmem:v0+s18+$0x0], $0xffff  }
0xfe: {  	v2 =	vld [tilespmem:s22+$0xAB80]  }
0xff: {  	v3 =	vld [tilespmem:s22+$0xD310];
	_ =	sdelay $0x2  }
0x100: {  	v0 =	vmul.f32 v1, v0;
	_ =	sdelay $0x1  }
0x101: {  	v0 =	vsub.f32 v2, v0;
	_ =	sdelay $0x1  }
0x102: {  	v1 =	vld [tilespmem:s22+$0x8410];
	[tilespmem:s22+$0xFA80] =	vst v0  }
0x103: {  	v0 =	vld.idx.msk [tilespmem:v3+s18+$0x0], $0xffff  }
0x104: {  	v2 =	vld [tilespmem:s22+$0xAB90]  }
0x105: {  	v3 =	vld [tilespmem:s22+$0xD320];
	_ =	sdelay $0x2  }
0x106: {  	v0 =	vmul.f32 v1, v0;
	_ =	sdelay $0x1  }
0x107: {  	v0 =	vsub.f32 v2, v0;
	_ =	sdelay $0x1  }
0x108: {  	v1 =	vld [tilespmem:s22+$0x8420];
	[tilespmem:s22+$0xFA90] =	vst v0  }
0x109: {  	v0 =	vld.idx.msk [tilespmem:v3+s18+$0x0], $0xffff  }
0x10a: {  	v2 =	vld [tilespmem:s22+$0xABA0]  }
0x10b: {  	v3 =	vld [tilespmem:s22+$0xD330];
	_ =	sdelay $0x2  }
0x10c: {  	v0 =	vmul.f32 v1, v0;
	_ =	sdelay $0x1  }
0x10d: {  	v0 =	vsub.f32 v2, v0;
	_ =	sdelay $0x1  }
0x10e: {  	v1 =	vld [tilespmem:s22+$0x8430];
	[tilespmem:s22+$0xFAA0] =	vst v0  }
0x10f: {  	v0 =	vld.idx.msk [tilespmem:v3+s18+$0x0], $0xffff  }
0x110: {  	v2 =	vld [tilespmem:s22+$0xABB0]  }
0x111: {  	v3 =	vld [tilespmem:s22+$0xD340];
	_ =	sdelay $0x2  }
0x112: {  	v0 =	vmul.f32 v1, v0;
	_ =	sdelay $0x1  }
0x113: {  	v0 =	vsub.f32 v2, v0;
	_ =	sdelay $0x1  }
0x114: {  	v1 =	vld [tilespmem:s22+$0x8440];
	[tilespmem:s22+$0xFAB0] =	vst v0  }
0x115: {  	v0 =	vld.idx.msk [tilespmem:v3+s18+$0x0], $0xffff  }
0x116: {  	s24 =	simm.s32 $0x50;
	s23 =	simm.s32 $0x280;
	v2 =	vld [tilespmem:s22+$0xABC0]  }
.LBB2_4:
0x117: {  	p0 =	sne.s32 s23, $0x9B00;
	v3 =	vld [tilespmem:s24+$0xD300];
	_ =	sdelay $0x2  }
0x118: {  	v0 =	vmul.f32 v1, v0;
	_ =	sdelay $0x1  }
0x119: {  	v0 =	vsub.f32 v2, v0;
	_ =	sdelay $0x1  }
0x11a: {  	[tilespmem:s22+$0xFAC0] =	vst v0;
	s22 =	smov.u32 s24  }
0x11b: {  	v0 =	vld.idx.msk [tilespmem:v3+s18+$0x0], $0xffff  }
0x11c: {  	v1 =	vld [tilespmem:s22+$0x8400]  }
0x11d: {  	v2 =	vld [tilespmem:s22+$0xAB80]  }
0x11e: {  	v3 =	vld [tilespmem:s22+$0xD310];
	_ =	sdelay $0x2  }
0x11f: {  	v0 =	vmul.f32 v1, v0;
	_ =	sdelay $0x1  }
0x120: {  	v0 =	vsub.f32 v2, v0;
	_ =	sdelay $0x1  }
0x121: {  	[tilespmem:s22+$0xFA80] =	vst v0  }
0x122: {  	v0 =	vld.idx.msk [tilespmem:v3+s18+$0x0], $0xffff  }
0x123: {  	v1 =	vld [tilespmem:s22+$0x8410]  }
0x124: {  	v2 =	vld [tilespmem:s22+$0xAB90]  }
0x125: {  	v3 =	vld [tilespmem:s22+$0xD320];
	_ =	sdelay $0x2  }
0x126: {  	v0 =	vmul.f32 v1, v0;
	_ =	sdelay $0x1  }
0x127: {  	v0 =	vsub.f32 v2, v0;
	_ =	sdelay $0x1  }
0x128: {  	[tilespmem:s22+$0xFA90] =	vst v0  }
0x129: {  	v0 =	vld.idx.msk [tilespmem:v3+s18+$0x0], $0xffff  }
0x12a: {  	v1 =	vld [tilespmem:s22+$0x8420]  }
0x12b: {  	v2 =	vld [tilespmem:s22+$0xABA0]  }
0x12c: {  	v3 =	vld [tilespmem:s22+$0xD330];
	_ =	sdelay $0x2  }
0x12d: {  	v0 =	vmul.f32 v1, v0;
	_ =	sdelay $0x1  }
0x12e: {  	v0 =	vsub.f32 v2, v0;
	_ =	sdelay $0x1  }
0x12f: {  	[tilespmem:s22+$0xFAA0] =	vst v0  }
0x130: {  	v0 =	vld.idx.msk [tilespmem:v3+s18+$0x0], $0xffff  }
0x131: {  	v1 =	vld [tilespmem:s22+$0x8430]  }
0x132: {  	v2 =	vld [tilespmem:s22+$0xABB0]  }
0x133: {  	v3 =	vld [tilespmem:s22+$0xD340];
	_ =	sdelay $0x2  }
0x134: {  	v0 =	vmul.f32 v1, v0;
	_ =	sdelay $0x1  }
0x135: {  	v0 =	vsub.f32 v2, v0  }
.Ltmp1:
0x136: {  	(pc) =	sbr.rel @p0 .LBB2_4-.Ltmp1, $4  }
0x137: {  	[tilespmem:s22+$0xFAB0] =	vst v0  }
0x138: {  	v0 =	vld.idx.msk [tilespmem:v3+s18+$0x0], $0xffff  }
0x139: {  	v1 =	vld [tilespmem:s22+$0x8440]  }
0x13a: {  	s24 =	sshra.s32 s23, $0x2;
	s23 =	sadd.s32 $0x140, s23;
	v2 =	vld [tilespmem:s22+$0xABC0]  }
0x13b: {  	v3 =	vld [tilespmem:s24+$0xD300];
	_ =	sdelay $0x2  }
0x13c: {  	v0 =	vmul.f32 v1, v0;
	_ =	sdelay $0x1  }
0x13d: {  	v0 =	vsub.f32 v2, v0;
	_ =	sdelay $0x1  }
0x13e: {  	[tilespmem:s22+$0xFAC0] =	vst v0  }
0x13f: {  	v0 =	vld.idx.msk [tilespmem:v3+s18+$0x0], $0xffff  }
0x140: {  	v50 =	vld [tilespmem:s24+$0x8400]  }
0x141: {  	v51 =	vld [tilespmem:s24+$0xAB80]  }
0x142: {  	v52 =	vld [tilespmem:s24+$0xD310];
	_ =	sdelay $0x2  }
0x143: {  	v0 =	vmul.f32 v50, v0;
	_ =	sdelay $0x1  }
0x144: {  	v0 =	vsub.f32 v51, v0;
	_ =	sdelay $0x1  }
0x145: {  	v53 =	vld [tilespmem:s24+$0x8410];
	[tilespmem:s24+$0xFA80] =	vst v0  }
0x146: {  	v0 =	vld.idx.msk [tilespmem:v52+s18+$0x0], $0xffff  }
0x147: {  	v54 =	vld [tilespmem:s24+$0xAB90]  }
0x148: {  	v55 =	vld [tilespmem:s24+$0xD320];
	_ =	sdelay $0x2  }
0x149: {  	v0 =	vmul.f32 v53, v0;
	_ =	sdelay $0x1  }
0x14a: {  	v0 =	vsub.f32 v54, v0;
	_ =	sdelay $0x1  }
0x14b: {  	v56 =	vld [tilespmem:s24+$0x8420];
	[tilespmem:s24+$0xFA90] =	vst v0  }
0x14c: {  	v0 =	vld.idx.msk [tilespmem:v55+s18+$0x0], $0xffff  }
0x14d: {  	v57 =	vld [tilespmem:s24+$0xABA0]  }
0x14e: {  	v58 =	vld [tilespmem:s24+$0xD330];
	_ =	sdelay $0x2  }
0x14f: {  	v0 =	vmul.f32 v56, v0;
	_ =	sdelay $0x1  }
0x150: {  	v0 =	vsub.f32 v57, v0;
	_ =	sdelay $0x1  }
0x151: {  	v59 =	vld [tilespmem:s24+$0x8430];
	[tilespmem:s24+$0xFAA0] =	vst v0  }
0x152: {  	v0 =	vld.idx.msk [tilespmem:v58+s18+$0x0], $0xffff  }
0x153: {  	v60 =	vld [tilespmem:s24+$0xABB0]  }
0x154: {  	v61 =	vld [tilespmem:s24+$0xD340];
	_ =	sdelay $0x2  }
0x155: {  	v0 =	vmul.f32 v59, v0;
	_ =	sdelay $0x1  }
0x156: {  	v0 =	vsub.f32 v60, v0;
	_ =	sdelay $0x1  }
0x157: {  	v62 =	vld [tilespmem:s24+$0x8440];
	[tilespmem:s24+$0xFAB0] =	vst v0  }
0x158: {  	v0 =	vld.idx.msk [tilespmem:v61+s18+$0x0], $0xffff;
	_ =	sdelay $0x1  }
0x159: {  	v63 =	vld [tilespmem:s24+$0xABC0];
	_ =	sdelay $0x2  }
0x15a: {  	v0 =	vmul.f32 v62, v0;
	_ =	sdelay $0x1  }
0x15b: {  	s21 =	sadd.s32 $0x1, s21;
	v0 =	vsub.f32 v63, v0  }
0x15c: {  	p0 =	sne.s32 s21, s10  }
.Ltmp2:
0x15d: {  	[tilespmem:s24+$0xFAC0] =	vst v0;
	(pc) =	sbr.rel @p0 .LBB2_1-.Ltmp2, $4  }
0x15e: {  	[hbm4b:s9+s3] =	stream.linear.scatter [tilespmem:s19], [sflag:$0x3], $0x2710, $0x38;
	[tilespmem:$0x12200] =	vst v63  }
0x15f: {  	_ =	swait.ge [sflag:s20], $0x2710  }
0x160: {  	[sflag:s20] =	ssyncset.done $0x0  }
0x161: {  	[sflag:s20] =	ssyncadd.s32 $0xFFFFD8F0  }
0x162: {  	_ =	sfence.sel $0x180000  }
0x163: {  	[bflag:$0x0] =	sbarrier.arrive $0xFFFF  }
0x164: {  	p0 =	sne.s32 s0, $0x0;
	_ =	strace $0x9000004A  }
0x165: {  	s0 =	sadd.s32 @!p0 $0x100000, s2;
	[bflag:$0x2] =	sbarrier.arrive $0xFFFF  }
0x166: {  	[sflag:s0] =	ssyncadd.tile.s32 @!p0 $0x1;
	_ =	shalt  }
.Lfunc_end2:
_tile_overlayer_lowered:
.L_overlay_start_2:
0x167: {  	(tag) =	ssettag $0x2  }
0x168: {  	s0 =	rddreg [dreg:$0x0];
	s2 =	stileid.u32  }
0x169: {  	s1 =	rddreg [dreg:$0x1];
	p0 =	sne.s32 s2, $0x0  }
0x16a: {  	s3 =	rddreg [dreg:$0x2];
	[bflag:$0x3] =	sbarrier.arrive $0xFFFF;
	s2 =	simm.s32 @!p0 $0x1C03  }
0x16b: {  	[timem:s3], [sflag:s2] =	dma.local @!p0 [hbm:s0], s1  }
0x16c: {  	s0 =	simm.s32 @!p0 $0x3  }
0x16d: {  	_ =	swait.ge @!p0 [sflag:s0], s1  }
0x16e: {  	s1 =	ssub.s32 @!p0 $0x0, s1;
	[sflag:s0] =	ssyncset.done @!p0 $0x0  }
0x16f: {  	[sflag:s0] =	ssyncadd.s32 @!p0 s1  }
0x170: {  	[bflag:$0x3] =	sbarrier.arrive $0xFFFF  }
0x171: {  	_ =	shalt  }

</sc_bundles>
